<compile_context>
chip_gen: v7x
topology: tpu7x:2x2x1
jax: 0.10.2.dev20260603
libtpu: 0.0.44.dev20260713+nightly
codegen_flags: <defaults>
</compile_context>

<pallas_src>
import functools

import jax
import jax.numpy as jnp
from jax import lax
from jax.experimental import pallas as pl
from jax.experimental.pallas import tpu as pltpu
from jax.experimental.pallas import tpu_sc as plsc

B, S, D = 1, 2048, 1024
E, K = 8, 2
F = 512
F_SH = 1024
TOT = S * K
TMC = 256
NT = TOT // TMC
G = NT + E - 1
TM = 256
T = S // TM

NW = 32
RPW = TOT // NW


def _top2(logits):
    iota = lax.broadcasted_iota(jnp.int32, logits.shape, 1)
    m1 = jnp.max(logits, axis=-1, keepdims=True)
    i1 = jnp.min(jnp.where(logits == m1, iota, E), axis=-1, keepdims=True)
    l2 = jnp.where(iota == i1, -jnp.inf, logits)
    m2 = jnp.max(l2, axis=-1, keepdims=True)
    i2 = jnp.min(jnp.where(l2 == m2, iota, E), axis=-1, keepdims=True)
    w1 = 1.0 / (1.0 + jnp.exp(m2 - m1))
    w2 = 1.0 - w1
    return i1, i2, w1, w2


def _router_body(x_ref, wr_ref, logits_ref, pos_ref, sched_ref):
    x = x_ref[...]
    logits = jnp.dot(x, wr_ref[...], preferred_element_type=jnp.float32)
    logits_ref[...] = logits
    i1, i2, w1, w2 = _top2(logits)

    lanes = lax.broadcasted_iota(jnp.int32, (S, E), 1)
    ind = ((lanes == i1) | (lanes == i2)).astype(jnp.float32)
    run = ind
    k = 1
    while k < S:
        shifted = jnp.concatenate(
            [jnp.zeros((k, E), jnp.float32), run[: S - k, :]], axis=0)
        run = run + shifted
        k *= 2
    rank = run - ind
    counts = run[S - 1:, :]

    def excl_lane_cumsum(v):
        r = v
        k = 1
        while k < E:
            r = r + jnp.concatenate(
                [jnp.zeros((1, k), v.dtype), r[:, : E - k]], axis=1)
            k *= 2
        return r - v

    off = excl_lane_cumsum(counts)

    def pick(tab, idx):
        return jnp.sum(jnp.where(lanes == idx, tab, 0.0), axis=-1,
                       keepdims=True)

    pos1 = pick(off + rank, i1)
    pos2 = pick(off + rank, i2)
    pos_ref[...] = jnp.concatenate([pos1, pos2], axis=1).astype(jnp.int32)

    cnt_i = counts.astype(jnp.int32)
    off_i = off.astype(jnp.int32)
    first = off_i // TMC
    last = jnp.where(cnt_i > 0, (off_i + cnt_i - 1) // TMC, -1)
    items = jnp.where(cnt_i > 0, last - first + 1, 0)
    start = excl_lane_cumsum(items)
    total = jnp.sum(items, axis=-1, keepdims=True)

    gl = lax.broadcasted_iota(jnp.int32, (G, E), 1)
    gg = lax.broadcasted_iota(jnp.int32, (G, E), 0)
    e_of_g = jnp.sum(jnp.where(start <= gg, 1, 0), axis=-1, keepdims=True) - 1

    def pick_g(tab):
        return jnp.sum(jnp.where(gl == e_of_g, tab, 0), axis=-1, keepdims=True)

    g_iota = lax.broadcasted_iota(jnp.int32, (G, 1), 0)
    valid = g_iota < total
    t_of_g = pick_g(first) + (g_iota - pick_g(start))
    rs = jnp.maximum(pick_g(off_i), t_of_g * TMC)
    re = jnp.minimum(pick_g(off_i) + pick_g(cnt_i), (t_of_g + 1) * TMC)
    t_of_g = jnp.where(valid, t_of_g, NT - 1)
    e_of_g = jnp.where(valid, jnp.clip(e_of_g, 0, E - 1), E - 1)
    rs = jnp.where(valid, rs, 0)
    re = jnp.where(valid, re, 0)
    sched = jnp.concatenate([t_of_g, e_of_g, rs, re], axis=1)
    sched_ref[...] = sched


def _stage_a(x, W_router):
    return pl.pallas_call(
        _router_body,
        out_shape=[
            jax.ShapeDtypeStruct((S, E), jnp.float32),
            jax.ShapeDtypeStruct((S, K), jnp.int32),
            jax.ShapeDtypeStruct((G, 4), jnp.int32),
        ],
    )(x, W_router)


def _make_gather():
    mesh = plsc.VectorSubcoreMesh(core_axis_name="c", subcore_axis_name="s")
    tpw = S // NW

    @functools.partial(
        pl.kernel,
        out_type=jax.ShapeDtypeStruct((TOT, D), jnp.float32),
        mesh=mesh,
        scratch_types=[
            pltpu.VMEM((tpw,), jnp.int32),
            pltpu.VMEM((tpw,), jnp.int32),
            pltpu.VMEM((tpw, D), jnp.float32),
            pltpu.SemaphoreType.DMA,
            pltpu.SemaphoreType.DMA,
        ],
    )
    def gather_k(pos0_hbm, pos1_hbm, x_hbm, xs_hbm, i0_v, i1_v, rows_v,
                 s0, s1):
        wid = lax.axis_index("s") * 2 + lax.axis_index("c")
        tok = wid * tpw
        pltpu.sync_copy(pos0_hbm.at[pl.ds(tok, tpw)], i0_v)
        pltpu.sync_copy(pos1_hbm.at[pl.ds(tok, tpw)], i1_v)
        pltpu.sync_copy(x_hbm.at[pl.ds(tok, tpw)], rows_v)
        cp0 = pltpu.async_copy(rows_v, xs_hbm.at[i0_v], s0)
        cp1 = pltpu.async_copy(rows_v, xs_hbm.at[i1_v], s1)
        cp0.wait()
        cp1.wait()

    return gather_k


def _group_body(sched_ref, xs_ref, wr_ref, wg_ref, wu_ref, wd_ref, out_ref):
    g = pl.program_id(0)
    e = sched_ref[g, 1]
    rs = sched_ref[g, 2]
    re = sched_ref[g, 3]

    @pl.when(re > rs)
    def _work():
        xs = xs_ref[...]
        logits = jnp.dot(xs, wr_ref[...], preferred_element_type=jnp.float32)
        lanes = lax.broadcasted_iota(jnp.int32, (TMC, E), 1)
        m1 = jnp.max(logits, axis=-1, keepdims=True)
        l2 = jnp.where(logits == m1, -jnp.inf, logits)
        m2 = jnp.max(l2, axis=-1, keepdims=True)
        le = jnp.sum(jnp.where(lanes == e, logits, 0.0), axis=-1,
                     keepdims=True)
        w = jnp.exp(le - m1) / (1.0 + jnp.exp(m2 - m1))

        gg = jnp.dot(xs, wg_ref[0], preferred_element_type=jnp.float32)
        uu = jnp.dot(xs, wu_ref[0], preferred_element_type=jnp.float32)
        h = jax.nn.silu(gg) * uu
        o = jnp.dot(h, wd_ref[0], preferred_element_type=jnp.float32)

        row = (sched_ref[g, 0] * TMC
               + lax.broadcasted_iota(jnp.int32, (TMC, 1), 0))
        m = (row >= rs) & (row < re)
        out_ref[...] = jnp.where(m, w * o, out_ref[...])


def _stage_c(sched, xs, W_router, Wg, Wu, Wd):
    grid_spec = pltpu.PrefetchScalarGridSpec(
        num_scalar_prefetch=1,
        grid=(G,),
        in_specs=[
            pl.BlockSpec((TMC, D), lambda g, s: (s[g, 0], 0)),
            pl.BlockSpec((D, E), lambda g, s: (0, 0)),
            pl.BlockSpec((1, D, F), lambda g, s: (s[g, 1], 0, 0)),
            pl.BlockSpec((1, D, F), lambda g, s: (s[g, 1], 0, 0)),
            pl.BlockSpec((1, F, D), lambda g, s: (s[g, 1], 0, 0)),
        ],
        out_specs=pl.BlockSpec((TMC, D), lambda g, s: (s[g, 0], 0)),
    )
    return pl.pallas_call(
        _group_body,
        grid_spec=grid_spec,
        out_shape=jax.ShapeDtypeStruct((TOT, D), jnp.float32),
        compiler_params=pltpu.CompilerParams(
            dimension_semantics=("arbitrary",)),
    )(sched, xs, W_router, Wg, Wu, Wd)


def _make_ungather():
    mesh = plsc.VectorSubcoreMesh(core_axis_name="c", subcore_axis_name="s")
    tpw = S // NW

    @functools.partial(
        pl.kernel,
        out_type=jax.ShapeDtypeStruct((K, S, D), jnp.float32),
        mesh=mesh,
        scratch_types=[
            pltpu.VMEM((tpw,), jnp.int32),
            pltpu.VMEM((tpw,), jnp.int32),
            [pltpu.VMEM((16, D), jnp.float32)] * 4,
            [pltpu.SemaphoreType.DMA] * 4,
        ],
    )
    def ungather_k(pos0_hbm, pos1_hbm, outs_hbm, pair_hbm,
                   p0_v, p1_v, bufs, sems):
        wid = lax.axis_index("s") * 2 + lax.axis_index("c")
        tok0 = wid * tpw
        pltpu.sync_copy(pos0_hbm.at[pl.ds(tok0, tpw)], p0_v)
        pltpu.sync_copy(pos1_hbm.at[pl.ds(tok0, tpw)], p1_v)
        pv = (p0_v, p1_v)

        def fire(k):
            return pltpu.async_copy(
                outs_hbm.at[pv[k % 2].at[pl.ds((k // 2) * 16, 16)]],
                bufs[k % 4], sems[k % 4])

        nxf = 2 * (tpw // 16)
        cps = {k: fire(k) for k in range(4)}
        for k in range(nxf):
            cps[k].wait()
            pltpu.sync_copy(
                bufs[k % 4],
                pair_hbm.at[k % 2, pl.ds(tok0 + (k // 2) * 16, 16)])
            if k + 4 < nxf:
                cps[k + 4] = fire(k + 4)

    return ungather_k


def _shared_body(x_ref, wsg_ref, wsu_ref, wsd_ref, wgate_ref,
                 pair_ref, out_ref):
    x = x_ref[...]
    gate = jax.nn.sigmoid(jnp.dot(x, wgate_ref[...],
                                  preferred_element_type=jnp.float32))
    g = jnp.dot(x, wsg_ref[...], preferred_element_type=jnp.float32)
    u = jnp.dot(x, wsu_ref[...], preferred_element_type=jnp.float32)
    h = jax.nn.silu(g) * u
    o = jnp.dot(h, wsd_ref[...], preferred_element_type=jnp.float32)
    out_ref[...] = gate * o + pair_ref[0] + pair_ref[1]


def _stage_e(x, Wsg, Wsu, Wsd, Wse_gate, pair):
    return pl.pallas_call(
        _shared_body,
        grid=(T,),
        in_specs=[
            pl.BlockSpec((TM, D), lambda t: (t, 0)),
            pl.BlockSpec((D, F_SH), lambda t: (0, 0)),
            pl.BlockSpec((D, F_SH), lambda t: (0, 0)),
            pl.BlockSpec((F_SH, D), lambda t: (0, 0)),
            pl.BlockSpec((D, 1), lambda t: (0, 0)),
            pl.BlockSpec((K, TM, D), lambda t: (0, t, 0)),
        ],
        out_specs=pl.BlockSpec((TM, D), lambda t: (t, 0)),
        out_shape=jax.ShapeDtypeStruct((S, D), jnp.float32),
        compiler_params=pltpu.CompilerParams(
            dimension_semantics=("arbitrary",)),
    )(x, Wsg, Wsu, Wsd, Wse_gate, pair)


@jax.jit
def kernel(hidden_states, W_router, Wg, Wu, Wd, Wsg, Wsu, Wsd, Wse_gate):
    x = hidden_states.reshape(S, D)
    logits, pos, sched = _stage_a(x, W_router)
    xs = _make_gather()(pos[:, 0], pos[:, 1], x)
    outs = _stage_c(sched, xs, W_router, Wg, Wu, Wd)
    pair = _make_ungather()(pos[:, 0], pos[:, 1], outs)
    out = _stage_e(x, Wsg, Wsu, Wsd, Wse_gate, pair)
    return out.reshape(B, S, D), logits.reshape(B, S, E)

# --- scband reference (transcript-rebuilt; emitter-appended) ---
"""Pipeline reference for scband-qwen3-next-sparse-moe-block-62019327754717 (READ-ONLY COPY).

The authoritative reference and input builder live on the scoring server;
editing this copy changes nothing except your own understanding.
"""

import jax, jax.numpy as jnp
import numpy as np

B, S, D = 1, 2048, 1024
E, K = 8, 2
F_MOE = 512
F_SH = 1024


def setup_inputs(seed: int = 0) -> dict:
    key = jax.random.key(seed)
    ks = jax.random.split(key, 9)
    x = jax.random.normal(ks[0], (B, S, D), dtype=jnp.float32)
    W_router = jax.random.normal(ks[1], (D, E), dtype=jnp.float32) * (1.0 / np.sqrt(D))
    Wg = jax.random.normal(ks[2], (E, D, F_MOE), dtype=jnp.float32) * (1.0 / np.sqrt(D))
    Wu = jax.random.normal(ks[3], (E, D, F_MOE), dtype=jnp.float32) * (1.0 / np.sqrt(D))
    Wd = jax.random.normal(ks[4], (E, F_MOE, D), dtype=jnp.float32) * (1.0 / np.sqrt(F_MOE))
    Wsg = jax.random.normal(ks[5], (D, F_SH), dtype=jnp.float32) * (1.0 / np.sqrt(D))
    Wsu = jax.random.normal(ks[6], (D, F_SH), dtype=jnp.float32) * (1.0 / np.sqrt(D))
    Wsd = jax.random.normal(ks[7], (F_SH, D), dtype=jnp.float32) * (1.0 / np.sqrt(F_SH))
    Wse_gate = jax.random.normal(ks[8], (D, 1), dtype=jnp.float32) * (1.0 / np.sqrt(D))
    return {"hidden_states": x, "W_router": W_router, "Wg": Wg, "Wu": Wu, "Wd": Wd,
            "Wsg": Wsg, "Wsu": Wsu, "Wsd": Wsd, "Wse_gate": Wse_gate}


def reference(hidden_states, W_router, Wg, Wu, Wd, Wsg, Wsu, Wsd, Wse_gate):
    b, s, d = hidden_states.shape
    x = hidden_states.reshape(-1, d)
    router_logits = x @ W_router
    routing_weights = jax.nn.softmax(router_logits.astype(jnp.float32), axis=-1)
    topk_weights, topk_indices = jax.lax.top_k(routing_weights, K)
    # norm_topk_prob = True
    topk_weights = topk_weights / jnp.sum(topk_weights, axis=-1, keepdims=True)
    topk_weights = topk_weights.astype(x.dtype)
    # combine[t, e] = sum of topk weights routing token t to expert e
    combine = jnp.sum(jax.nn.one_hot(topk_indices, E, dtype=x.dtype) * topk_weights[..., None], axis=1)
    final = jnp.zeros_like(x)
    for e in range(E):
        h = jax.nn.silu(x @ Wg[e]) * (x @ Wu[e])
        out_e = h @ Wd[e]
        final = final + combine[:, e:e + 1] * out_e
    shared_h = jax.nn.silu(x @ Wsg) * (x @ Wsu)
    shared_out = shared_h @ Wsd
    shared_gate = jax.nn.sigmoid(x @ Wse_gate)
    final = final + shared_out * shared_gate
    return final.reshape(b, s, d), router_logits.reshape(b, s, E)

if __name__ == "__main__":
    import jax
    _d = setup_inputs()
    print(jax.jit(kernel)(*tuple(_d.values())))

</pallas_src>

<mosaic_0001>
#map = affine_map<(d0, d1) -> (0)>
#map1 = affine_map<(d0, d1) -> (0, 0)>
#map2 = affine_map<(d0, d1) -> (0, 0, 0)>
module attributes {stable_mosaic.version = 14 : i64} {
  func.func @ungather_k(%arg0: i32, %arg1: i32, %arg2: memref<2048xi32, #tpu.memory_space<hbm>>, %arg3: memref<2048xi32, #tpu.memory_space<hbm>>, %arg4: memref<4096x1024xf32, #tpu.memory_space<hbm>>, %arg5: memref<2x2048x1024xf32, #tpu.memory_space<hbm>>, %arg6: memref<64xi32, #tpu.memory_space<vmem>>, %arg7: memref<64xi32, #tpu.memory_space<vmem>>, %arg8: memref<16x1024xf32, #tpu.memory_space<vmem>>, %arg9: memref<16x1024xf32, #tpu.memory_space<vmem>>, %arg10: memref<16x1024xf32, #tpu.memory_space<vmem>>, %arg11: memref<16x1024xf32, #tpu.memory_space<vmem>>, %arg12: memref<!tpu.dma_semaphore, #tpu.memory_space<semaphore_mem>>, %arg13: memref<!tpu.dma_semaphore, #tpu.memory_space<semaphore_mem>>, %arg14: memref<!tpu.dma_semaphore, #tpu.memory_space<semaphore_mem>>, %arg15: memref<!tpu.dma_semaphore, #tpu.memory_space<semaphore_mem>>) attributes {dimension_semantics = [#tpu.dimension_semantics<core_parallel>, #tpu.dimension_semantics<subcore_parallel>], iteration_bounds = array<i64: 2, 16>, scalar_prefetch = 0 : i64, scratch_operands = 10 : i64, tpu.core_type = #tpu.core_type<sc_vector_subcore>, window_params = [{transform_indices = #map}, {transform_indices = #map}, {transform_indices = #map1}, {transform_indices = #map2}]} {
    %mul3A = arith.constant 2 : i32
    %mul3A_0 = arith.muli %arg1, %mul3A : i32
    %add3A = arith.addi %mul3A_0, %arg0 : i32
    %mul3A_1 = arith.constant 64 : i32
    %mul3A_2 = arith.muli %add3A, %mul3A_1 : i32
    "tpu.region"() ({
      %run_scoped3A_104 = tpu.sem_alloc : memref<!tpu.dma_semaphore, #tpu.memory_space<semaphore_mem>>
      %dma_start3A_105 = tpu.memref_slice %arg2[%mul3A_2] : memref<2048xi32, #tpu.memory_space<hbm>> -> memref<64xi32, #tpu.memory_space<hbm>>
      %dma_start3A_106 = tpu.memref_slice %arg2[%mul3A_2] : memref<2048xi32, #tpu.memory_space<hbm>> -> memref<64xi32, #tpu.memory_space<hbm>>
      tpu.enqueue_dma source(%dma_start3A_106 : memref<64xi32, #tpu.memory_space<hbm>>) target(%arg6 : memref<64xi32, #tpu.memory_space<vmem>>) target_semaphore(%run_scoped3A_104 : memref<!tpu.dma_semaphore, #tpu.memory_space<semaphore_mem>>)
      %dma_wait3A_107 = tpu.memref_slice %arg2[%mul3A_2] : memref<2048xi32, #tpu.memory_space<hbm>> -> memref<64xi32, #tpu.memory_space<hbm>>
      %dma_wait3A_108 = tpu.memref_slice %arg2[%mul3A_2] : memref<2048xi32, #tpu.memory_space<hbm>> -> memref<64xi32, #tpu.memory_space<hbm>>
      tpu.wait_dma2 semaphore(%run_scoped3A_104 : memref<!tpu.dma_semaphore, #tpu.memory_space<semaphore_mem>>) src(%dma_wait3A_108 : memref<64xi32, #tpu.memory_space<hbm>>) dst(%arg6 : memref<64xi32, #tpu.memory_space<vmem>>)
      tpu.yield
    }) : () -> ()
    "tpu.region"() ({
      %run_scoped3A_104 = tpu.sem_alloc : memref<!tpu.dma_semaphore, #tpu.memory_space<semaphore_mem>>
      %dma_start3A_105 = tpu.memref_slice %arg3[%mul3A_2] : memref<2048xi32, #tpu.memory_space<hbm>> -> memref<64xi32, #tpu.memory_space<hbm>>
      %dma_start3A_106 = tpu.memref_slice %arg3[%mul3A_2] : memref<2048xi32, #tpu.memory_space<hbm>> -> memref<64xi32, #tpu.memory_space<hbm>>
      tpu.enqueue_dma source(%dma_start3A_106 : memref<64xi32, #tpu.memory_space<hbm>>) target(%arg7 : memref<64xi32, #tpu.memory_space<vmem>>) target_semaphore(%run_scoped3A_104 : memref<!tpu.dma_semaphore, #tpu.memory_space<semaphore_mem>>)
      %dma_wait3A_107 = tpu.memref_slice %arg3[%mul3A_2] : memref<2048xi32, #tpu.memory_space<hbm>> -> memref<64xi32, #tpu.memory_space<hbm>>
      %dma_wait3A_108 = tpu.memref_slice %arg3[%mul3A_2] : memref<2048xi32, #tpu.memory_space<hbm>> -> memref<64xi32, #tpu.memory_space<hbm>>
      tpu.wait_dma2 semaphore(%run_scoped3A_104 : memref<!tpu.dma_semaphore, #tpu.memory_space<semaphore_mem>>) src(%dma_wait3A_108 : memref<64xi32, #tpu.memory_space<hbm>>) dst(%arg7 : memref<64xi32, #tpu.memory_space<vmem>>)
      tpu.yield
    }) : () -> ()
    %dma_start3A = arith.constant 0 : i32
    %dma_start3A_3 = tpu.memref_slice %arg6[%dma_start3A] : memref<64xi32, #tpu.memory_space<vmem>> -> memref<16xi32, #tpu.memory_space<vmem>>
    %dma_start3A_4 = arith.constant 0 : i32
    %dma_start3A_5 = arith.constant 0 : i32
    %dma_start3A_6 = tpu.memref_slice %arg4[%dma_start3A_4, %dma_start3A_5] : memref<4096x1024xf32, #tpu.memory_space<hbm>> -> memref<4096x1024xf32, #tpu.memory_space<hbm>>
    tpu.enqueue_indirect_dma source(%dma_start3A_6 : memref<4096x1024xf32, #tpu.memory_space<hbm>>) target(%arg8 : memref<16x1024xf32, #tpu.memory_space<vmem>>) offsets(%dma_start3A_3 : memref<16xi32, #tpu.memory_space<vmem>>) semaphore(%arg12 : memref<!tpu.dma_semaphore, #tpu.memory_space<semaphore_mem>>)
    %dma_start3A_7 = arith.constant 0 : i32
    %dma_start3A_8 = tpu.memref_slice %arg7[%dma_start3A_7] : memref<64xi32, #tpu.memory_space<vmem>> -> memref<16xi32, #tpu.memory_space<vmem>>
    %dma_start3A_9 = arith.constant 0 : i32
    %dma_start3A_10 = arith.constant 0 : i32
    %dma_start3A_11 = tpu.memref_slice %arg4[%dma_start3A_9, %dma_start3A_10] : memref<4096x1024xf32, #tpu.memory_space<hbm>> -> memref<4096x1024xf32, #tpu.memory_space<hbm>>
    tpu.enqueue_indirect_dma source(%dma_start3A_11 : memref<4096x1024xf32, #tpu.memory_space<hbm>>) target(%arg9 : memref<16x1024xf32, #tpu.memory_space<vmem>>) offsets(%dma_start3A_8 : memref<16xi32, #tpu.memory_space<vmem>>) semaphore(%arg13 : memref<!tpu.dma_semaphore, #tpu.memory_space<semaphore_mem>>)
    %dma_start3A_12 = arith.constant 16 : i32
    %dma_start3A_13 = tpu.memref_slice %arg6[%dma_start3A_12] : memref<64xi32, #tpu.memory_space<vmem>> -> memref<16xi32, #tpu.memory_space<vmem>>
    %dma_start3A_14 = arith.constant 0 : i32
    %dma_start3A_15 = arith.constant 0 : i32
    %dma_start3A_16 = tpu.memref_slice %arg4[%dma_start3A_14, %dma_start3A_15] : memref<4096x1024xf32, #tpu.memory_space<hbm>> -> memref<4096x1024xf32, #tpu.memory_space<hbm>>
    tpu.enqueue_indirect_dma source(%dma_start3A_16 : memref<4096x1024xf32, #tpu.memory_space<hbm>>) target(%arg10 : memref<16x1024xf32, #tpu.memory_space<vmem>>) offsets(%dma_start3A_13 : memref<16xi32, #tpu.memory_space<vmem>>) semaphore(%arg14 : memref<!tpu.dma_semaphore, #tpu.memory_space<semaphore_mem>>)
    %dma_start3A_17 = arith.constant 16 : i32
    %dma_start3A_18 = tpu.memref_slice %arg7[%dma_start3A_17] : memref<64xi32, #tpu.memory_space<vmem>> -> memref<16xi32, #tpu.memory_space<vmem>>
    %dma_start3A_19 = arith.constant 0 : i32
    %dma_start3A_20 = arith.constant 0 : i32
    %dma_start3A_21 = tpu.memref_slice %arg4[%dma_start3A_19, %dma_start3A_20] : memref<4096x1024xf32, #tpu.memory_space<hbm>> -> memref<4096x1024xf32, #tpu.memory_space<hbm>>
    tpu.enqueue_indirect_dma source(%dma_start3A_21 : memref<4096x1024xf32, #tpu.memory_space<hbm>>) target(%arg11 : memref<16x1024xf32, #tpu.memory_space<vmem>>) offsets(%dma_start3A_18 : memref<16xi32, #tpu.memory_space<vmem>>) semaphore(%arg15 : memref<!tpu.dma_semaphore, #tpu.memory_space<semaphore_mem>>)
    %dma_wait3A = arith.constant 0 : i32
    %dma_wait3A_22 = tpu.memref_slice %arg6[%dma_wait3A] : memref<64xi32, #tpu.memory_space<vmem>> -> memref<16xi32, #tpu.memory_space<vmem>>
    %dma_wait3A_23 = arith.constant 0 : i32
    %dma_wait3A_24 = arith.constant 0 : i32
    %dma_wait3A_25 = tpu.memref_slice %arg4[%dma_wait3A_23, %dma_wait3A_24] : memref<4096x1024xf32, #tpu.memory_space<hbm>> -> memref<4096x1024xf32, #tpu.memory_space<hbm>>
    tpu.wait_indirect_dma semaphore(%arg12 : memref<!tpu.dma_semaphore, #tpu.memory_space<semaphore_mem>>) src(%dma_wait3A_25 : memref<4096x1024xf32, #tpu.memory_space<hbm>>) dst(%arg8 : memref<16x1024xf32, #tpu.memory_space<vmem>>)
    %add3A_26 = arith.constant 0 : i32
    %add3A_27 = arith.addi %mul3A_2, %add3A_26 : i32
    %run_scoped3A = arith.constant 0 : i32
    "tpu.region"() ({
      %run_scoped3A_104 = tpu.sem_alloc : memref<!tpu.dma_semaphore, #tpu.memory_space<semaphore_mem>>
      %dma_start3A_105 = arith.constant 0 : i32
      %dma_start3A_106 = tpu.memref_slice %arg5[%run_scoped3A, %add3A_27, %dma_start3A_105] : memref<2x2048x1024xf32, #tpu.memory_space<hbm>> -> memref<1x16x1024xf32, #tpu.memory_space<hbm>>
      %dma_start3A_107 = tpu.memref_squeeze %dma_start3A_106 : memref<1x16x1024xf32, #tpu.memory_space<hbm>> -> memref<16x1024xf32, #tpu.memory_space<hbm>>
      %dma_start3A_108 = arith.constant 0 : i32
      %dma_start3A_109 = tpu.memref_slice %arg5[%run_scoped3A, %add3A_27, %dma_start3A_108] : memref<2x2048x1024xf32, #tpu.memory_space<hbm>> -> memref<1x16x1024xf32, #tpu.memory_space<hbm>>
      %dma_start3A_110 = tpu.memref_squeeze %dma_start3A_109 : memref<1x16x1024xf32, #tpu.memory_space<hbm>> -> memref<16x1024xf32, #tpu.memory_space<hbm>>
      tpu.enqueue_dma source(%arg8 : memref<16x1024xf32, #tpu.memory_space<vmem>>) target(%dma_start3A_110 : memref<16x1024xf32, #tpu.memory_space<hbm>>) target_semaphore(%run_scoped3A_104 : memref<!tpu.dma_semaphore, #tpu.memory_space<semaphore_mem>>)
      %dma_wait3A_111 = arith.constant 0 : i32
      %dma_wait3A_112 = tpu.memref_slice %arg5[%run_scoped3A, %add3A_27, %dma_wait3A_111] : memref<2x2048x1024xf32, #tpu.memory_space<hbm>> -> memref<1x16x1024xf32, #tpu.memory_space<hbm>>
      %dma_wait3A_113 = tpu.memref_squeeze %dma_wait3A_112 : memref<1x16x1024xf32, #tpu.memory_space<hbm>> -> memref<16x1024xf32, #tpu.memory_space<hbm>>
      %dma_wait3A_114 = arith.constant 0 : i32
      %dma_wait3A_115 = tpu.memref_slice %arg5[%run_scoped3A, %add3A_27, %dma_wait3A_114] : memref<2x2048x1024xf32, #tpu.memory_space<hbm>> -> memref<1x16x1024xf32, #tpu.memory_space<hbm>>
      %dma_wait3A_116 = tpu.memref_squeeze %dma_wait3A_115 : memref<1x16x1024xf32, #tpu.memory_space<hbm>> -> memref<16x1024xf32, #tpu.memory_space<hbm>>
      tpu.wait_dma2 semaphore(%run_scoped3A_104 : memref<!tpu.dma_semaphore, #tpu.memory_space<semaphore_mem>>) src(%arg8 : memref<16x1024xf32, #tpu.memory_space<vmem>>) dst(%dma_wait3A_116 : memref<16x1024xf32, #tpu.memory_space<hbm>>)
      tpu.yield
    }) : () -> ()
    %dma_start3A_28 = arith.constant 32 : i32
    %dma_start3A_29 = tpu.memref_slice %arg6[%dma_start3A_28] : memref<64xi32, #tpu.memory_space<vmem>> -> memref<16xi32, #tpu.memory_space<vmem>>
    %dma_start3A_30 = arith.constant 0 : i32
    %dma_start3A_31 = arith.constant 0 : i32
    %dma_start3A_32 = tpu.memref_slice %arg4[%dma_start3A_30, %dma_start3A_31] : memref<4096x1024xf32, #tpu.memory_space<hbm>> -> memref<4096x1024xf32, #tpu.memory_space<hbm>>
    tpu.enqueue_indirect_dma source(%dma_start3A_32 : memref<4096x1024xf32, #tpu.memory_space<hbm>>) target(%arg8 : memref<16x1024xf32, #tpu.memory_space<vmem>>) offsets(%dma_start3A_29 : memref<16xi32, #tpu.memory_space<vmem>>) semaphore(%arg12 : memref<!tpu.dma_semaphore, #tpu.memory_space<semaphore_mem>>)
    %dma_wait3A_33 = arith.constant 0 : i32
    %dma_wait3A_34 = tpu.memref_slice %arg7[%dma_wait3A_33] : memref<64xi32, #tpu.memory_space<vmem>> -> memref<16xi32, #tpu.memory_space<vmem>>
    %dma_wait3A_35 = arith.constant 0 : i32
    %dma_wait3A_36 = arith.constant 0 : i32
    %dma_wait3A_37 = tpu.memref_slice %arg4[%dma_wait3A_35, %dma_wait3A_36] : memref<4096x1024xf32, #tpu.memory_space<hbm>> -> memref<4096x1024xf32, #tpu.memory_space<hbm>>
    tpu.wait_indirect_dma semaphore(%arg13 : memref<!tpu.dma_semaphore, #tpu.memory_space<semaphore_mem>>) src(%dma_wait3A_37 : memref<4096x1024xf32, #tpu.memory_space<hbm>>) dst(%arg9 : memref<16x1024xf32, #tpu.memory_space<vmem>>)
    %add3A_38 = arith.constant 0 : i32
    %add3A_39 = arith.addi %mul3A_2, %add3A_38 : i32
    %run_scoped3A_40 = arith.constant 1 : i32
    "tpu.region"() ({
      %run_scoped3A_104 = tpu.sem_alloc : memref<!tpu.dma_semaphore, #tpu.memory_space<semaphore_mem>>
      %dma_start3A_105 = arith.constant 0 : i32
      %dma_start3A_106 = tpu.memref_slice %arg5[%run_scoped3A_40, %add3A_39, %dma_start3A_105] : memref<2x2048x1024xf32, #tpu.memory_space<hbm>> -> memref<1x16x1024xf32, #tpu.memory_space<hbm>>
      %dma_start3A_107 = tpu.memref_squeeze %dma_start3A_106 : memref<1x16x1024xf32, #tpu.memory_space<hbm>> -> memref<16x1024xf32, #tpu.memory_space<hbm>>
      %dma_start3A_108 = arith.constant 0 : i32
      %dma_start3A_109 = tpu.memref_slice %arg5[%run_scoped3A_40, %add3A_39, %dma_start3A_108] : memref<2x2048x1024xf32, #tpu.memory_space<hbm>> -> memref<1x16x1024xf32, #tpu.memory_space<hbm>>
      %dma_start3A_110 = tpu.memref_squeeze %dma_start3A_109 : memref<1x16x1024xf32, #tpu.memory_space<hbm>> -> memref<16x1024xf32, #tpu.memory_space<hbm>>
      tpu.enqueue_dma source(%arg9 : memref<16x1024xf32, #tpu.memory_space<vmem>>) target(%dma_start3A_110 : memref<16x1024xf32, #tpu.memory_space<hbm>>) target_semaphore(%run_scoped3A_104 : memref<!tpu.dma_semaphore, #tpu.memory_space<semaphore_mem>>)
      %dma_wait3A_111 = arith.constant 0 : i32
      %dma_wait3A_112 = tpu.memref_slice %arg5[%run_scoped3A_40, %add3A_39, %dma_wait3A_111] : memref<2x2048x1024xf32, #tpu.memory_space<hbm>> -> memref<1x16x1024xf32, #tpu.memory_space<hbm>>
      %dma_wait3A_113 = tpu.memref_squeeze %dma_wait3A_112 : memref<1x16x1024xf32, #tpu.memory_space<hbm>> -> memref<16x1024xf32, #tpu.memory_space<hbm>>
      %dma_wait3A_114 = arith.constant 0 : i32
      %dma_wait3A_115 = tpu.memref_slice %arg5[%run_scoped3A_40, %add3A_39, %dma_wait3A_114] : memref<2x2048x1024xf32, #tpu.memory_space<hbm>> -> memref<1x16x1024xf32, #tpu.memory_space<hbm>>
      %dma_wait3A_116 = tpu.memref_squeeze %dma_wait3A_115 : memref<1x16x1024xf32, #tpu.memory_space<hbm>> -> memref<16x1024xf32, #tpu.memory_space<hbm>>
      tpu.wait_dma2 semaphore(%run_scoped3A_104 : memref<!tpu.dma_semaphore, #tpu.memory_space<semaphore_mem>>) src(%arg9 : memref<16x1024xf32, #tpu.memory_space<vmem>>) dst(%dma_wait3A_116 : memref<16x1024xf32, #tpu.memory_space<hbm>>)
      tpu.yield
    }) : () -> ()
    %dma_start3A_41 = arith.constant 32 : i32
    %dma_start3A_42 = tpu.memref_slice %arg7[%dma_start3A_41] : memref<64xi32, #tpu.memory_space<vmem>> -> memref<16xi32, #tpu.memory_space<vmem>>
    %dma_start3A_43 = arith.constant 0 : i32
    %dma_start3A_44 = arith.constant 0 : i32
    %dma_start3A_45 = tpu.memref_slice %arg4[%dma_start3A_43, %dma_start3A_44] : memref<4096x1024xf32, #tpu.memory_space<hbm>> -> memref<4096x1024xf32, #tpu.memory_space<hbm>>
    tpu.enqueue_indirect_dma source(%dma_start3A_45 : memref<4096x1024xf32, #tpu.memory_space<hbm>>) target(%arg9 : memref<16x1024xf32, #tpu.memory_space<vmem>>) offsets(%dma_start3A_42 : memref<16xi32, #tpu.memory_space<vmem>>) semaphore(%arg13 : memref<!tpu.dma_semaphore, #tpu.memory_space<semaphore_mem>>)
    %dma_wait3A_46 = arith.constant 16 : i32
    %dma_wait3A_47 = tpu.memref_slice %arg6[%dma_wait3A_46] : memref<64xi32, #tpu.memory_space<vmem>> -> memref<16xi32, #tpu.memory_space<vmem>>
    %dma_wait3A_48 = arith.constant 0 : i32
    %dma_wait3A_49 = arith.constant 0 : i32
    %dma_wait3A_50 = tpu.memref_slice %arg4[%dma_wait3A_48, %dma_wait3A_49] : memref<4096x1024xf32, #tpu.memory_space<hbm>> -> memref<4096x1024xf32, #tpu.memory_space<hbm>>
    tpu.wait_indirect_dma semaphore(%arg14 : memref<!tpu.dma_semaphore, #tpu.memory_space<semaphore_mem>>) src(%dma_wait3A_50 : memref<4096x1024xf32, #tpu.memory_space<hbm>>) dst(%arg10 : memref<16x1024xf32, #tpu.memory_space<vmem>>)
    %add3A_51 = arith.constant 16 : i32
    %add3A_52 = arith.addi %mul3A_2, %add3A_51 : i32
    %run_scoped3A_53 = arith.constant 0 : i32
    "tpu.region"() ({
      %run_scoped3A_104 = tpu.sem_alloc : memref<!tpu.dma_semaphore, #tpu.memory_space<semaphore_mem>>
      %dma_start3A_105 = arith.constant 0 : i32
      %dma_start3A_106 = tpu.memref_slice %arg5[%run_scoped3A_53, %add3A_52, %dma_start3A_105] : memref<2x2048x1024xf32, #tpu.memory_space<hbm>> -> memref<1x16x1024xf32, #tpu.memory_space<hbm>>
      %dma_start3A_107 = tpu.memref_squeeze %dma_start3A_106 : memref<1x16x1024xf32, #tpu.memory_space<hbm>> -> memref<16x1024xf32, #tpu.memory_space<hbm>>
      %dma_start3A_108 = arith.constant 0 : i32
      %dma_start3A_109 = tpu.memref_slice %arg5[%run_scoped3A_53, %add3A_52, %dma_start3A_108] : memref<2x2048x1024xf32, #tpu.memory_space<hbm>> -> memref<1x16x1024xf32, #tpu.memory_space<hbm>>
      %dma_start3A_110 = tpu.memref_squeeze %dma_start3A_109 : memref<1x16x1024xf32, #tpu.memory_space<hbm>> -> memref<16x1024xf32, #tpu.memory_space<hbm>>
      tpu.enqueue_dma source(%arg10 : memref<16x1024xf32, #tpu.memory_space<vmem>>) target(%dma_start3A_110 : memref<16x1024xf32, #tpu.memory_space<hbm>>) target_semaphore(%run_scoped3A_104 : memref<!tpu.dma_semaphore, #tpu.memory_space<semaphore_mem>>)
      %dma_wait3A_111 = arith.constant 0 : i32
      %dma_wait3A_112 = tpu.memref_slice %arg5[%run_scoped3A_53, %add3A_52, %dma_wait3A_111] : memref<2x2048x1024xf32, #tpu.memory_space<hbm>> -> memref<1x16x1024xf32, #tpu.memory_space<hbm>>
      %dma_wait3A_113 = tpu.memref_squeeze %dma_wait3A_112 : memref<1x16x1024xf32, #tpu.memory_space<hbm>> -> memref<16x1024xf32, #tpu.memory_space<hbm>>
      %dma_wait3A_114 = arith.constant 0 : i32
      %dma_wait3A_115 = tpu.memref_slice %arg5[%run_scoped3A_53, %add3A_52, %dma_wait3A_114] : memref<2x2048x1024xf32, #tpu.memory_space<hbm>> -> memref<1x16x1024xf32, #tpu.memory_space<hbm>>
      %dma_wait3A_116 = tpu.memref_squeeze %dma_wait3A_115 : memref<1x16x1024xf32, #tpu.memory_space<hbm>> -> memref<16x1024xf32, #tpu.memory_space<hbm>>
      tpu.wait_dma2 semaphore(%run_scoped3A_104 : memref<!tpu.dma_semaphore, #tpu.memory_space<semaphore_mem>>) src(%arg10 : memref<16x1024xf32, #tpu.memory_space<vmem>>) dst(%dma_wait3A_116 : memref<16x1024xf32, #tpu.memory_space<hbm>>)
      tpu.yield
    }) : () -> ()
    %dma_start3A_54 = arith.constant 48 : i32
    %dma_start3A_55 = tpu.memref_slice %arg6[%dma_start3A_54] : memref<64xi32, #tpu.memory_space<vmem>> -> memref<16xi32, #tpu.memory_space<vmem>>
    %dma_start3A_56 = arith.constant 0 : i32
    %dma_start3A_57 = arith.constant 0 : i32
    %dma_start3A_58 = tpu.memref_slice %arg4[%dma_start3A_56, %dma_start3A_57] : memref<4096x1024xf32, #tpu.memory_space<hbm>> -> memref<4096x1024xf32, #tpu.memory_space<hbm>>
    tpu.enqueue_indirect_dma source(%dma_start3A_58 : memref<4096x1024xf32, #tpu.memory_space<hbm>>) target(%arg10 : memref<16x1024xf32, #tpu.memory_space<vmem>>) offsets(%dma_start3A_55 : memref<16xi32, #tpu.memory_space<vmem>>) semaphore(%arg14 : memref<!tpu.dma_semaphore, #tpu.memory_space<semaphore_mem>>)
    %dma_wait3A_59 = arith.constant 16 : i32
    %dma_wait3A_60 = tpu.memref_slice %arg7[%dma_wait3A_59] : memref<64xi32, #tpu.memory_space<vmem>> -> memref<16xi32, #tpu.memory_space<vmem>>
    %dma_wait3A_61 = arith.constant 0 : i32
    %dma_wait3A_62 = arith.constant 0 : i32
    %dma_wait3A_63 = tpu.memref_slice %arg4[%dma_wait3A_61, %dma_wait3A_62] : memref<4096x1024xf32, #tpu.memory_space<hbm>> -> memref<4096x1024xf32, #tpu.memory_space<hbm>>
    tpu.wait_indirect_dma semaphore(%arg15 : memref<!tpu.dma_semaphore, #tpu.memory_space<semaphore_mem>>) src(%dma_wait3A_63 : memref<4096x1024xf32, #tpu.memory_space<hbm>>) dst(%arg11 : memref<16x1024xf32, #tpu.memory_space<vmem>>)
    %add3A_64 = arith.constant 16 : i32
    %add3A_65 = arith.addi %mul3A_2, %add3A_64 : i32
    %run_scoped3A_66 = arith.constant 1 : i32
    "tpu.region"() ({
      %run_scoped3A_104 = tpu.sem_alloc : memref<!tpu.dma_semaphore, #tpu.memory_space<semaphore_mem>>
      %dma_start3A_105 = arith.constant 0 : i32
      %dma_start3A_106 = tpu.memref_slice %arg5[%run_scoped3A_66, %add3A_65, %dma_start3A_105] : memref<2x2048x1024xf32, #tpu.memory_space<hbm>> -> memref<1x16x1024xf32, #tpu.memory_space<hbm>>
      %dma_start3A_107 = tpu.memref_squeeze %dma_start3A_106 : memref<1x16x1024xf32, #tpu.memory_space<hbm>> -> memref<16x1024xf32, #tpu.memory_space<hbm>>
      %dma_start3A_108 = arith.constant 0 : i32
      %dma_start3A_109 = tpu.memref_slice %arg5[%run_scoped3A_66, %add3A_65, %dma_start3A_108] : memref<2x2048x1024xf32, #tpu.memory_space<hbm>> -> memref<1x16x1024xf32, #tpu.memory_space<hbm>>
      %dma_start3A_110 = tpu.memref_squeeze %dma_start3A_109 : memref<1x16x1024xf32, #tpu.memory_space<hbm>> -> memref<16x1024xf32, #tpu.memory_space<hbm>>
      tpu.enqueue_dma source(%arg11 : memref<16x1024xf32, #tpu.memory_space<vmem>>) target(%dma_start3A_110 : memref<16x1024xf32, #tpu.memory_space<hbm>>) target_semaphore(%run_scoped3A_104 : memref<!tpu.dma_semaphore, #tpu.memory_space<semaphore_mem>>)
      %dma_wait3A_111 = arith.constant 0 : i32
      %dma_wait3A_112 = tpu.memref_slice %arg5[%run_scoped3A_66, %add3A_65, %dma_wait3A_111] : memref<2x2048x1024xf32, #tpu.memory_space<hbm>> -> memref<1x16x1024xf32, #tpu.memory_space<hbm>>
      %dma_wait3A_113 = tpu.memref_squeeze %dma_wait3A_112 : memref<1x16x1024xf32, #tpu.memory_space<hbm>> -> memref<16x1024xf32, #tpu.memory_space<hbm>>
      %dma_wait3A_114 = arith.constant 0 : i32
      %dma_wait3A_115 = tpu.memref_slice %arg5[%run_scoped3A_66, %add3A_65, %dma_wait3A_114] : memref<2x2048x1024xf32, #tpu.memory_space<hbm>> -> memref<1x16x1024xf32, #tpu.memory_space<hbm>>
      %dma_wait3A_116 = tpu.memref_squeeze %dma_wait3A_115 : memref<1x16x1024xf32, #tpu.memory_space<hbm>> -> memref<16x1024xf32, #tpu.memory_space<hbm>>
      tpu.wait_dma2 semaphore(%run_scoped3A_104 : memref<!tpu.dma_semaphore, #tpu.memory_space<semaphore_mem>>) src(%arg11 : memref<16x1024xf32, #tpu.memory_space<vmem>>) dst(%dma_wait3A_116 : memref<16x1024xf32, #tpu.memory_space<hbm>>)
      tpu.yield
    }) : () -> ()
    %dma_start3A_67 = arith.constant 48 : i32
    %dma_start3A_68 = tpu.memref_slice %arg7[%dma_start3A_67] : memref<64xi32, #tpu.memory_space<vmem>> -> memref<16xi32, #tpu.memory_space<vmem>>
    %dma_start3A_69 = arith.constant 0 : i32
    %dma_start3A_70 = arith.constant 0 : i32
    %dma_start3A_71 = tpu.memref_slice %arg4[%dma_start3A_69, %dma_start3A_70] : memref<4096x1024xf32, #tpu.memory_space<hbm>> -> memref<4096x1024xf32, #tpu.memory_space<hbm>>
    tpu.enqueue_indirect_dma source(%dma_start3A_71 : memref<4096x1024xf32, #tpu.memory_space<hbm>>) target(%arg11 : memref<16x1024xf32, #tpu.memory_space<vmem>>) offsets(%dma_start3A_68 : memref<16xi32, #tpu.memory_space<vmem>>) semaphore(%arg15 : memref<!tpu.dma_semaphore, #tpu.memory_space<semaphore_mem>>)
    %dma_wait3A_72 = arith.constant 32 : i32
    %dma_wait3A_73 = tpu.memref_slice %arg6[%dma_wait3A_72] : memref<64xi32, #tpu.memory_space<vmem>> -> memref<16xi32, #tpu.memory_space<vmem>>
    %dma_wait3A_74 = arith.constant 0 : i32
    %dma_wait3A_75 = arith.constant 0 : i32
    %dma_wait3A_76 = tpu.memref_slice %arg4[%dma_wait3A_74, %dma_wait3A_75] : memref<4096x1024xf32, #tpu.memory_space<hbm>> -> memref<4096x1024xf32, #tpu.memory_space<hbm>>
    tpu.wait_indirect_dma semaphore(%arg12 : memref<!tpu.dma_semaphore, #tpu.memory_space<semaphore_mem>>) src(%dma_wait3A_76 : memref<4096x1024xf32, #tpu.memory_space<hbm>>) dst(%arg8 : memref<16x1024xf32, #tpu.memory_space<vmem>>)
    %add3A_77 = arith.constant 32 : i32
    %add3A_78 = arith.addi %mul3A_2, %add3A_77 : i32
    %run_scoped3A_79 = arith.constant 0 : i32
    "tpu.region"() ({
      %run_scoped3A_104 = tpu.sem_alloc : memref<!tpu.dma_semaphore, #tpu.memory_space<semaphore_mem>>
      %dma_start3A_105 = arith.constant 0 : i32
      %dma_start3A_106 = tpu.memref_slice %arg5[%run_scoped3A_79, %add3A_78, %dma_start3A_105] : memref<2x2048x1024xf32, #tpu.memory_space<hbm>> -> memref<1x16x1024xf32, #tpu.memory_space<hbm>>
      %dma_start3A_107 = tpu.memref_squeeze %dma_start3A_106 : memref<1x16x1024xf32, #tpu.memory_space<hbm>> -> memref<16x1024xf32, #tpu.memory_space<hbm>>
      %dma_start3A_108 = arith.constant 0 : i32
      %dma_start3A_109 = tpu.memref_slice %arg5[%run_scoped3A_79, %add3A_78, %dma_start3A_108] : memref<2x2048x1024xf32, #tpu.memory_space<hbm>> -> memref<1x16x1024xf32, #tpu.memory_space<hbm>>
      %dma_start3A_110 = tpu.memref_squeeze %dma_start3A_109 : memref<1x16x1024xf32, #tpu.memory_space<hbm>> -> memref<16x1024xf32, #tpu.memory_space<hbm>>
      tpu.enqueue_dma source(%arg8 : memref<16x1024xf32, #tpu.memory_space<vmem>>) target(%dma_start3A_110 : memref<16x1024xf32, #tpu.memory_space<hbm>>) target_semaphore(%run_scoped3A_104 : memref<!tpu.dma_semaphore, #tpu.memory_space<semaphore_mem>>)
      %dma_wait3A_111 = arith.constant 0 : i32
      %dma_wait3A_112 = tpu.memref_slice %arg5[%run_scoped3A_79, %add3A_78, %dma_wait3A_111] : memref<2x2048x1024xf32, #tpu.memory_space<hbm>> -> memref<1x16x1024xf32, #tpu.memory_space<hbm>>
      %dma_wait3A_113 = tpu.memref_squeeze %dma_wait3A_112 : memref<1x16x1024xf32, #tpu.memory_space<hbm>> -> memref<16x1024xf32, #tpu.memory_space<hbm>>
      %dma_wait3A_114 = arith.constant 0 : i32
      %dma_wait3A_115 = tpu.memref_slice %arg5[%run_scoped3A_79, %add3A_78, %dma_wait3A_114] : memref<2x2048x1024xf32, #tpu.memory_space<hbm>> -> memref<1x16x1024xf32, #tpu.memory_space<hbm>>
      %dma_wait3A_116 = tpu.memref_squeeze %dma_wait3A_115 : memref<1x16x1024xf32, #tpu.memory_space<hbm>> -> memref<16x1024xf32, #tpu.memory_space<hbm>>
      tpu.wait_dma2 semaphore(%run_scoped3A_104 : memref<!tpu.dma_semaphore, #tpu.memory_space<semaphore_mem>>) src(%arg8 : memref<16x1024xf32, #tpu.memory_space<vmem>>) dst(%dma_wait3A_116 : memref<16x1024xf32, #tpu.memory_space<hbm>>)
      tpu.yield
    }) : () -> ()
    %dma_wait3A_80 = arith.constant 32 : i32
    %dma_wait3A_81 = tpu.memref_slice %arg7[%dma_wait3A_80] : memref<64xi32, #tpu.memory_space<vmem>> -> memref<16xi32, #tpu.memory_space<vmem>>
    %dma_wait3A_82 = arith.constant 0 : i32
    %dma_wait3A_83 = arith.constant 0 : i32
    %dma_wait3A_84 = tpu.memref_slice %arg4[%dma_wait3A_82, %dma_wait3A_83] : memref<4096x1024xf32, #tpu.memory_space<hbm>> -> memref<4096x1024xf32, #tpu.memory_space<hbm>>
    tpu.wait_indirect_dma semaphore(%arg13 : memref<!tpu.dma_semaphore, #tpu.memory_space<semaphore_mem>>) src(%dma_wait3A_84 : memref<4096x1024xf32, #tpu.memory_space<hbm>>) dst(%arg9 : memref<16x1024xf32, #tpu.memory_space<vmem>>)
    %add3A_85 = arith.constant 32 : i32
    %add3A_86 = arith.addi %mul3A_2, %add3A_85 : i32
    %run_scoped3A_87 = arith.constant 1 : i32
    "tpu.region"() ({
      %run_scoped3A_104 = tpu.sem_alloc : memref<!tpu.dma_semaphore, #tpu.memory_space<semaphore_mem>>
      %dma_start3A_105 = arith.constant 0 : i32
      %dma_start3A_106 = tpu.memref_slice %arg5[%run_scoped3A_87, %add3A_86, %dma_start3A_105] : memref<2x2048x1024xf32, #tpu.memory_space<hbm>> -> memref<1x16x1024xf32, #tpu.memory_space<hbm>>
      %dma_start3A_107 = tpu.memref_squeeze %dma_start3A_106 : memref<1x16x1024xf32, #tpu.memory_space<hbm>> -> memref<16x1024xf32, #tpu.memory_space<hbm>>
      %dma_start3A_108 = arith.constant 0 : i32
      %dma_start3A_109 = tpu.memref_slice %arg5[%run_scoped3A_87, %add3A_86, %dma_start3A_108] : memref<2x2048x1024xf32, #tpu.memory_space<hbm>> -> memref<1x16x1024xf32, #tpu.memory_space<hbm>>
      %dma_start3A_110 = tpu.memref_squeeze %dma_start3A_109 : memref<1x16x1024xf32, #tpu.memory_space<hbm>> -> memref<16x1024xf32, #tpu.memory_space<hbm>>
      tpu.enqueue_dma source(%arg9 : memref<16x1024xf32, #tpu.memory_space<vmem>>) target(%dma_start3A_110 : memref<16x1024xf32, #tpu.memory_space<hbm>>) target_semaphore(%run_scoped3A_104 : memref<!tpu.dma_semaphore, #tpu.memory_space<semaphore_mem>>)
      %dma_wait3A_111 = arith.constant 0 : i32
      %dma_wait3A_112 = tpu.memref_slice %arg5[%run_scoped3A_87, %add3A_86, %dma_wait3A_111] : memref<2x2048x1024xf32, #tpu.memory_space<hbm>> -> memref<1x16x1024xf32, #tpu.memory_space<hbm>>
      %dma_wait3A_113 = tpu.memref_squeeze %dma_wait3A_112 : memref<1x16x1024xf32, #tpu.memory_space<hbm>> -> memref<16x1024xf32, #tpu.memory_space<hbm>>
      %dma_wait3A_114 = arith.constant 0 : i32
      %dma_wait3A_115 = tpu.memref_slice %arg5[%run_scoped3A_87, %add3A_86, %dma_wait3A_114] : memref<2x2048x1024xf32, #tpu.memory_space<hbm>> -> memref<1x16x1024xf32, #tpu.memory_space<hbm>>
      %dma_wait3A_116 = tpu.memref_squeeze %dma_wait3A_115 : memref<1x16x1024xf32, #tpu.memory_space<hbm>> -> memref<16x1024xf32, #tpu.memory_space<hbm>>
      tpu.wait_dma2 semaphore(%run_scoped3A_104 : memref<!tpu.dma_semaphore, #tpu.memory_space<semaphore_mem>>) src(%arg9 : memref<16x1024xf32, #tpu.memory_space<vmem>>) dst(%dma_wait3A_116 : memref<16x1024xf32, #tpu.memory_space<hbm>>)
      tpu.yield
    }) : () -> ()
    %dma_wait3A_88 = arith.constant 48 : i32
    %dma_wait3A_89 = tpu.memref_slice %arg6[%dma_wait3A_88] : memref<64xi32, #tpu.memory_space<vmem>> -> memref<16xi32, #tpu.memory_space<vmem>>
    %dma_wait3A_90 = arith.constant 0 : i32
    %dma_wait3A_91 = arith.constant 0 : i32
    %dma_wait3A_92 = tpu.memref_slice %arg4[%dma_wait3A_90, %dma_wait3A_91] : memref<4096x1024xf32, #tpu.memory_space<hbm>> -> memref<4096x1024xf32, #tpu.memory_space<hbm>>
    tpu.wait_indirect_dma semaphore(%arg14 : memref<!tpu.dma_semaphore, #tpu.memory_space<semaphore_mem>>) src(%dma_wait3A_92 : memref<4096x1024xf32, #tpu.memory_space<hbm>>) dst(%arg10 : memref<16x1024xf32, #tpu.memory_space<vmem>>)
    %add3A_93 = arith.constant 48 : i32
    %add3A_94 = arith.addi %mul3A_2, %add3A_93 : i32
    %run_scoped3A_95 = arith.constant 0 : i32
    "tpu.region"() ({
      %run_scoped3A_104 = tpu.sem_alloc : memref<!tpu.dma_semaphore, #tpu.memory_space<semaphore_mem>>
      %dma_start3A_105 = arith.constant 0 : i32
      %dma_start3A_106 = tpu.memref_slice %arg5[%run_scoped3A_95, %add3A_94, %dma_start3A_105] : memref<2x2048x1024xf32, #tpu.memory_space<hbm>> -> memref<1x16x1024xf32, #tpu.memory_space<hbm>>
      %dma_start3A_107 = tpu.memref_squeeze %dma_start3A_106 : memref<1x16x1024xf32, #tpu.memory_space<hbm>> -> memref<16x1024xf32, #tpu.memory_space<hbm>>
      %dma_start3A_108 = arith.constant 0 : i32
      %dma_start3A_109 = tpu.memref_slice %arg5[%run_scoped3A_95, %add3A_94, %dma_start3A_108] : memref<2x2048x1024xf32, #tpu.memory_space<hbm>> -> memref<1x16x1024xf32, #tpu.memory_space<hbm>>
      %dma_start3A_110 = tpu.memref_squeeze %dma_start3A_109 : memref<1x16x1024xf32, #tpu.memory_space<hbm>> -> memref<16x1024xf32, #tpu.memory_space<hbm>>
      tpu.enqueue_dma source(%arg10 : memref<16x1024xf32, #tpu.memory_space<vmem>>) target(%dma_start3A_110 : memref<16x1024xf32, #tpu.memory_space<hbm>>) target_semaphore(%run_scoped3A_104 : memref<!tpu.dma_semaphore, #tpu.memory_space<semaphore_mem>>)
      %dma_wait3A_111 = arith.constant 0 : i32
      %dma_wait3A_112 = tpu.memref_slice %arg5[%run_scoped3A_95, %add3A_94, %dma_wait3A_111] : memref<2x2048x1024xf32, #tpu.memory_space<hbm>> -> memref<1x16x1024xf32, #tpu.memory_space<hbm>>
      %dma_wait3A_113 = tpu.memref_squeeze %dma_wait3A_112 : memref<1x16x1024xf32, #tpu.memory_space<hbm>> -> memref<16x1024xf32, #tpu.memory_space<hbm>>
      %dma_wait3A_114 = arith.constant 0 : i32
      %dma_wait3A_115 = tpu.memref_slice %arg5[%run_scoped3A_95, %add3A_94, %dma_wait3A_114] : memref<2x2048x1024xf32, #tpu.memory_space<hbm>> -> memref<1x16x1024xf32, #tpu.memory_space<hbm>>
      %dma_wait3A_116 = tpu.memref_squeeze %dma_wait3A_115 : memref<1x16x1024xf32, #tpu.memory_space<hbm>> -> memref<16x1024xf32, #tpu.memory_space<hbm>>
      tpu.wait_dma2 semaphore(%run_scoped3A_104 : memref<!tpu.dma_semaphore, #tpu.memory_space<semaphore_mem>>) src(%arg10 : memref<16x1024xf32, #tpu.memory_space<vmem>>) dst(%dma_wait3A_116 : memref<16x1024xf32, #tpu.memory_space<hbm>>)
      tpu.yield
    }) : () -> ()
    %dma_wait3A_96 = arith.constant 48 : i32
    %dma_wait3A_97 = tpu.memref_slice %arg7[%dma_wait3A_96] : memref<64xi32, #tpu.memory_space<vmem>> -> memref<16xi32, #tpu.memory_space<vmem>>
    %dma_wait3A_98 = arith.constant 0 : i32
    %dma_wait3A_99 = arith.constant 0 : i32
    %dma_wait3A_100 = tpu.memref_slice %arg4[%dma_wait3A_98, %dma_wait3A_99] : memref<4096x1024xf32, #tpu.memory_space<hbm>> -> memref<4096x1024xf32, #tpu.memory_space<hbm>>
    tpu.wait_indirect_dma semaphore(%arg15 : memref<!tpu.dma_semaphore, #tpu.memory_space<semaphore_mem>>) src(%dma_wait3A_100 : memref<4096x1024xf32, #tpu.memory_space<hbm>>) dst(%arg11 : memref<16x1024xf32, #tpu.memory_space<vmem>>)
    %add3A_101 = arith.constant 48 : i32
    %add3A_102 = arith.addi %mul3A_2, %add3A_101 : i32
    %run_scoped3A_103 = arith.constant 1 : i32
    "tpu.region"() ({
      %run_scoped3A_104 = tpu.sem_alloc : memref<!tpu.dma_semaphore, #tpu.memory_space<semaphore_mem>>
      %dma_start3A_105 = arith.constant 0 : i32
      %dma_start3A_106 = tpu.memref_slice %arg5[%run_scoped3A_103, %add3A_102, %dma_start3A_105] : memref<2x2048x1024xf32, #tpu.memory_space<hbm>> -> memref<1x16x1024xf32, #tpu.memory_space<hbm>>
      %dma_start3A_107 = tpu.memref_squeeze %dma_start3A_106 : memref<1x16x1024xf32, #tpu.memory_space<hbm>> -> memref<16x1024xf32, #tpu.memory_space<hbm>>
      %dma_start3A_108 = arith.constant 0 : i32
      %dma_start3A_109 = tpu.memref_slice %arg5[%run_scoped3A_103, %add3A_102, %dma_start3A_108] : memref<2x2048x1024xf32, #tpu.memory_space<hbm>> -> memref<1x16x1024xf32, #tpu.memory_space<hbm>>
      %dma_start3A_110 = tpu.memref_squeeze %dma_start3A_109 : memref<1x16x1024xf32, #tpu.memory_space<hbm>> -> memref<16x1024xf32, #tpu.memory_space<hbm>>
      tpu.enqueue_dma source(%arg11 : memref<16x1024xf32, #tpu.memory_space<vmem>>) target(%dma_start3A_110 : memref<16x1024xf32, #tpu.memory_space<hbm>>) target_semaphore(%run_scoped3A_104 : memref<!tpu.dma_semaphore, #tpu.memory_space<semaphore_mem>>)
      %dma_wait3A_111 = arith.constant 0 : i32
      %dma_wait3A_112 = tpu.memref_slice %arg5[%run_scoped3A_103, %add3A_102, %dma_wait3A_111] : memref<2x2048x1024xf32, #tpu.memory_space<hbm>> -> memref<1x16x1024xf32, #tpu.memory_space<hbm>>
      %dma_wait3A_113 = tpu.memref_squeeze %dma_wait3A_112 : memref<1x16x1024xf32, #tpu.memory_space<hbm>> -> memref<16x1024xf32, #tpu.memory_space<hbm>>
      %dma_wait3A_114 = arith.constant 0 : i32
      %dma_wait3A_115 = tpu.memref_slice %arg5[%run_scoped3A_103, %add3A_102, %dma_wait3A_114] : memref<2x2048x1024xf32, #tpu.memory_space<hbm>> -> memref<1x16x1024xf32, #tpu.memory_space<hbm>>
      %dma_wait3A_116 = tpu.memref_squeeze %dma_wait3A_115 : memref<1x16x1024xf32, #tpu.memory_space<hbm>> -> memref<16x1024xf32, #tpu.memory_space<hbm>>
      tpu.wait_dma2 semaphore(%run_scoped3A_104 : memref<!tpu.dma_semaphore, #tpu.memory_space<semaphore_mem>>) src(%arg11 : memref<16x1024xf32, #tpu.memory_space<vmem>>) dst(%dma_wait3A_116 : memref<16x1024xf32, #tpu.memory_space<hbm>>)
      tpu.yield
    }) : () -> ()
    return
  }
}

#map = affine_map<(d0, d1) -> (0)>
#map1 = affine_map<(d0, d1) -> (0, 0)>
module attributes {stable_mosaic.version = 14 : i64} {
  func.func @gather_k(%arg0: i32, %arg1: i32, %arg2: memref<2048xi32, #tpu.memory_space<hbm>>, %arg3: memref<2048xi32, #tpu.memory_space<hbm>>, %arg4: memref<2048x1024xf32, #tpu.memory_space<hbm>>, %arg5: memref<4096x1024xf32, #tpu.memory_space<hbm>>, %arg6: memref<64xi32, #tpu.memory_space<vmem>>, %arg7: memref<64xi32, #tpu.memory_space<vmem>>, %arg8: memref<64x1024xf32, #tpu.memory_space<vmem>>, %arg9: memref<!tpu.dma_semaphore, #tpu.memory_space<semaphore_mem>>, %arg10: memref<!tpu.dma_semaphore, #tpu.memory_space<semaphore_mem>>) attributes {dimension_semantics = [#tpu.dimension_semantics<core_parallel>, #tpu.dimension_semantics<subcore_parallel>], iteration_bounds = array<i64: 2, 16>, scalar_prefetch = 0 : i64, scratch_operands = 5 : i64, tpu.core_type = #tpu.core_type<sc_vector_subcore>, window_params = [{transform_indices = #map}, {transform_indices = #map}, {transform_indices = #map1}, {transform_indices = #map1}]} {
    %mul3A = arith.constant 2 : i32
    %mul3A_0 = arith.muli %arg1, %mul3A : i32
    %add3A = arith.addi %mul3A_0, %arg0 : i32
    %mul3A_1 = arith.constant 64 : i32
    %mul3A_2 = arith.muli %add3A, %mul3A_1 : i32
    "tpu.region"() ({
      %run_scoped3A = tpu.sem_alloc : memref<!tpu.dma_semaphore, #tpu.memory_space<semaphore_mem>>
      %dma_start3A_13 = tpu.memref_slice %arg2[%mul3A_2] : memref<2048xi32, #tpu.memory_space<hbm>> -> memref<64xi32, #tpu.memory_space<hbm>>
      %dma_start3A_14 = tpu.memref_slice %arg2[%mul3A_2] : memref<2048xi32, #tpu.memory_space<hbm>> -> memref<64xi32, #tpu.memory_space<hbm>>
      tpu.enqueue_dma source(%dma_start3A_14 : memref<64xi32, #tpu.memory_space<hbm>>) target(%arg6 : memref<64xi32, #tpu.memory_space<vmem>>) target_semaphore(%run_scoped3A : memref<!tpu.dma_semaphore, #tpu.memory_space<semaphore_mem>>)
      %dma_wait3A_15 = tpu.memref_slice %arg2[%mul3A_2] : memref<2048xi32, #tpu.memory_space<hbm>> -> memref<64xi32, #tpu.memory_space<hbm>>
      %dma_wait3A_16 = tpu.memref_slice %arg2[%mul3A_2] : memref<2048xi32, #tpu.memory_space<hbm>> -> memref<64xi32, #tpu.memory_space<hbm>>
      tpu.wait_dma2 semaphore(%run_scoped3A : memref<!tpu.dma_semaphore, #tpu.memory_space<semaphore_mem>>) src(%dma_wait3A_16 : memref<64xi32, #tpu.memory_space<hbm>>) dst(%arg6 : memref<64xi32, #tpu.memory_space<vmem>>)
      tpu.yield
    }) : () -> ()
    "tpu.region"() ({
      %run_scoped3A = tpu.sem_alloc : memref<!tpu.dma_semaphore, #tpu.memory_space<semaphore_mem>>
      %dma_start3A_13 = tpu.memref_slice %arg3[%mul3A_2] : memref<2048xi32, #tpu.memory_space<hbm>> -> memref<64xi32, #tpu.memory_space<hbm>>
      %dma_start3A_14 = tpu.memref_slice %arg3[%mul3A_2] : memref<2048xi32, #tpu.memory_space<hbm>> -> memref<64xi32, #tpu.memory_space<hbm>>
      tpu.enqueue_dma source(%dma_start3A_14 : memref<64xi32, #tpu.memory_space<hbm>>) target(%arg7 : memref<64xi32, #tpu.memory_space<vmem>>) target_semaphore(%run_scoped3A : memref<!tpu.dma_semaphore, #tpu.memory_space<semaphore_mem>>)
      %dma_wait3A_15 = tpu.memref_slice %arg3[%mul3A_2] : memref<2048xi32, #tpu.memory_space<hbm>> -> memref<64xi32, #tpu.memory_space<hbm>>
      %dma_wait3A_16 = tpu.memref_slice %arg3[%mul3A_2] : memref<2048xi32, #tpu.memory_space<hbm>> -> memref<64xi32, #tpu.memory_space<hbm>>
      tpu.wait_dma2 semaphore(%run_scoped3A : memref<!tpu.dma_semaphore, #tpu.memory_space<semaphore_mem>>) src(%dma_wait3A_16 : memref<64xi32, #tpu.memory_space<hbm>>) dst(%arg7 : memref<64xi32, #tpu.memory_space<vmem>>)
      tpu.yield
    }) : () -> ()
    "tpu.region"() ({
      %run_scoped3A = tpu.sem_alloc : memref<!tpu.dma_semaphore, #tpu.memory_space<semaphore_mem>>
      %dma_start3A_13 = arith.constant 0 : i32
      %dma_start3A_14 = tpu.memref_slice %arg4[%mul3A_2, %dma_start3A_13] : memref<2048x1024xf32, #tpu.memory_space<hbm>> -> memref<64x1024xf32, #tpu.memory_space<hbm>>
      %dma_start3A_15 = arith.constant 0 : i32
      %dma_start3A_16 = tpu.memref_slice %arg4[%mul3A_2, %dma_start3A_15] : memref<2048x1024xf32, #tpu.memory_space<hbm>> -> memref<64x1024xf32, #tpu.memory_space<hbm>>
      tpu.enqueue_dma source(%dma_start3A_16 : memref<64x1024xf32, #tpu.memory_space<hbm>>) target(%arg8 : memref<64x1024xf32, #tpu.memory_space<vmem>>) target_semaphore(%run_scoped3A : memref<!tpu.dma_semaphore, #tpu.memory_space<semaphore_mem>>)
      %dma_wait3A_17 = arith.constant 0 : i32
      %dma_wait3A_18 = tpu.memref_slice %arg4[%mul3A_2, %dma_wait3A_17] : memref<2048x1024xf32, #tpu.memory_space<hbm>> -> memref<64x1024xf32, #tpu.memory_space<hbm>>
      %dma_wait3A_19 = arith.constant 0 : i32
      %dma_wait3A_20 = tpu.memref_slice %arg4[%mul3A_2, %dma_wait3A_19] : memref<2048x1024xf32, #tpu.memory_space<hbm>> -> memref<64x1024xf32, #tpu.memory_space<hbm>>
      tpu.wait_dma2 semaphore(%run_scoped3A : memref<!tpu.dma_semaphore, #tpu.memory_space<semaphore_mem>>) src(%dma_wait3A_20 : memref<64x1024xf32, #tpu.memory_space<hbm>>) dst(%arg8 : memref<64x1024xf32, #tpu.memory_space<vmem>>)
      tpu.yield
    }) : () -> ()
    %dma_start3A = arith.constant 0 : i32
    %dma_start3A_3 = arith.constant 0 : i32
    %dma_start3A_4 = tpu.memref_slice %arg5[%dma_start3A, %dma_start3A_3] : memref<4096x1024xf32, #tpu.memory_space<hbm>> -> memref<4096x1024xf32, #tpu.memory_space<hbm>>
    tpu.enqueue_indirect_dma source(%arg8 : memref<64x1024xf32, #tpu.memory_space<vmem>>) target(%dma_start3A_4 : memref<4096x1024xf32, #tpu.memory_space<hbm>>) offsets(%arg6 : memref<64xi32, #tpu.memory_space<vmem>>) semaphore(%arg9 : memref<!tpu.dma_semaphore, #tpu.memory_space<semaphore_mem>>)
    %dma_start3A_5 = arith.constant 0 : i32
    %dma_start3A_6 = arith.constant 0 : i32
    %dma_start3A_7 = tpu.memref_slice %arg5[%dma_start3A_5, %dma_start3A_6] : memref<4096x1024xf32, #tpu.memory_space<hbm>> -> memref<4096x1024xf32, #tpu.memory_space<hbm>>
    tpu.enqueue_indirect_dma source(%arg8 : memref<64x1024xf32, #tpu.memory_space<vmem>>) target(%dma_start3A_7 : memref<4096x1024xf32, #tpu.memory_space<hbm>>) offsets(%arg7 : memref<64xi32, #tpu.memory_space<vmem>>) semaphore(%arg10 : memref<!tpu.dma_semaphore, #tpu.memory_space<semaphore_mem>>)
    %dma_wait3A = arith.constant 0 : i32
    %dma_wait3A_8 = arith.constant 0 : i32
    %dma_wait3A_9 = tpu.memref_slice %arg5[%dma_wait3A, %dma_wait3A_8] : memref<4096x1024xf32, #tpu.memory_space<hbm>> -> memref<4096x1024xf32, #tpu.memory_space<hbm>>
    tpu.wait_indirect_dma semaphore(%arg9 : memref<!tpu.dma_semaphore, #tpu.memory_space<semaphore_mem>>) src(%arg8 : memref<64x1024xf32, #tpu.memory_space<vmem>>) dst(%dma_wait3A_9 : memref<4096x1024xf32, #tpu.memory_space<hbm>>)
    %dma_wait3A_10 = arith.constant 0 : i32
    %dma_wait3A_11 = arith.constant 0 : i32
    %dma_wait3A_12 = tpu.memref_slice %arg5[%dma_wait3A_10, %dma_wait3A_11] : memref<4096x1024xf32, #tpu.memory_space<hbm>> -> memref<4096x1024xf32, #tpu.memory_space<hbm>>
    tpu.wait_indirect_dma semaphore(%arg10 : memref<!tpu.dma_semaphore, #tpu.memory_space<semaphore_mem>>) src(%arg8 : memref<64x1024xf32, #tpu.memory_space<vmem>>) dst(%dma_wait3A_12 : memref<4096x1024xf32, #tpu.memory_space<hbm>>)
    return
  }
}

module attributes {stable_mosaic.version = 14 : i64} {
  func.func @_router_body(%arg0: memref<2048x1024xf32, #tpu.memory_space<vmem>>, %arg1: memref<1024x8xf32, #tpu.memory_space<vmem>>, %arg2: memref<2048x8xf32, #tpu.memory_space<vmem>>, %arg3: memref<2048x2xi32, #tpu.memory_space<vmem>>, %arg4: memref<23x4xi32, #tpu.memory_space<vmem>>) attributes {dimension_semantics = [], scalar_prefetch = 0 : i64, scratch_operands = 0 : i64, tpu.core_type = #tpu.core_type<tc>} {
    %get3A = arith.constant 0 : index
    %get3A_0 = arith.constant 0 : index
    %get3A_1 = vector.load %arg0[%get3A, %get3A_0] : memref<2048x1024xf32, #tpu.memory_space<vmem>>, vector<2048x1024xf32>
    %get3A_2 = arith.constant 0 : index
    %get3A_3 = arith.constant 0 : index
    %get3A_4 = vector.load %arg1[%get3A_2, %get3A_3] : memref<1024x8xf32, #tpu.memory_space<vmem>>, vector<1024x8xf32>
    %dot_general3A = arith.constant dense<0.000000e+00> : vector<2048x8xf32>
    %dot_general3A_5 = tpu.matmul %get3A_1, %get3A_4, %dot_general3A {dimension_numbers = #tpu.dot_dimension_numbers<[1], [0], [0], [1], [0, 0, 1, 1], [], []>, transpose_lhs_hint = false} : vector<2048x1024xf32>, vector<1024x8xf32>, vector<2048x8xf32> -> vector<2048x8xf32>
    %swap3A = arith.constant 0 : index
    %swap3A_6 = arith.constant 0 : index
    %swap3A_7 = vector.load %arg2[%swap3A, %swap3A_6] : memref<2048x8xf32, #tpu.memory_space<vmem>>, vector<2048x8xf32>
    tpu.vector_store %arg2[%swap3A, %swap3A_6], %dot_general3A_5 {strides = array<i32>} : memref<2048x8xf32, #tpu.memory_space<vmem>>, vector<2048x8xf32>,
    %iota3A = tpu.iota {dimensions = array<i32: 1>} : vector<2048x8xi32>
    %reduce_max3A = arith.constant dense<0xFF800000> : vector<2048xf32>
    %reduce_max3A_8 = vector.multi_reduction <maximumf>, %dot_general3A_5, %reduce_max3A [1] : vector<2048x8xf32> to vector<2048xf32>
    %broadcast_in_dim3A = vector.shape_cast %reduce_max3A_8 : vector<2048xf32> to vector<2048x1xf32>
    %eq3A = vector.broadcast %broadcast_in_dim3A : vector<2048x1xf32> to vector<2048x8xf32>
    %eq3A_9 = arith.cmpf oeq, %dot_general3A_5, %eq3A : vector<2048x8xf32>
    %jit3A = arith.constant 8 : i32
    %broadcast_in_dim3A_10 = vector.broadcast %jit3A : i32 to vector<2048x8xi32>
    %select_n3A = arith.select %eq3A_9, %iota3A, %broadcast_in_dim3A_10 : vector<2048x8xi1>, vector<2048x8xi32>
    %reduce_min3A = arith.constant dense<2147483647> : vector<2048xi32>
    %reduce_min3A_11 = vector.multi_reduction <minsi>, %select_n3A, %reduce_min3A [1] : vector<2048x8xi32> to vector<2048xi32>
    %broadcast_in_dim3A_12 = vector.shape_cast %reduce_min3A_11 : vector<2048xi32> to vector<2048x1xi32>
    %eq3A_13 = vector.broadcast %broadcast_in_dim3A_12 : vector<2048x1xi32> to vector<2048x8xi32>
    %eq3A_14 = arith.cmpi eq, %iota3A, %eq3A_13 : vector<2048x8xi32>
    %jit3A_15 = arith.constant 0xFF800000 : f32
    %broadcast_in_dim3A_16 = vector.broadcast %jit3A_15 : f32 to vector<2048x8xf32>
    %select_n3A_17 = arith.select %eq3A_14, %broadcast_in_dim3A_16, %dot_general3A_5 : vector<2048x8xi1>, vector<2048x8xf32>
    %reduce_max3A_18 = arith.constant dense<0xFF800000> : vector<2048xf32>
    %reduce_max3A_19 = vector.multi_reduction <maximumf>, %select_n3A_17, %reduce_max3A_18 [1] : vector<2048x8xf32> to vector<2048xf32>
    %broadcast_in_dim3A_20 = vector.shape_cast %reduce_max3A_19 : vector<2048xf32> to vector<2048x1xf32>
    %eq3A_21 = vector.broadcast %broadcast_in_dim3A_20 : vector<2048x1xf32> to vector<2048x8xf32>
    %eq3A_22 = arith.cmpf oeq, %select_n3A_17, %eq3A_21 : vector<2048x8xf32>
    %jit3A_23 = arith.constant 8 : i32
    %broadcast_in_dim3A_24 = vector.broadcast %jit3A_23 : i32 to vector<2048x8xi32>
    %select_n3A_25 = arith.select %eq3A_22, %iota3A, %broadcast_in_dim3A_24 : vector<2048x8xi1>, vector<2048x8xi32>
    %reduce_min3A_26 = arith.constant dense<2147483647> : vector<2048xi32>
    %reduce_min3A_27 = vector.multi_reduction <minsi>, %select_n3A_25, %reduce_min3A_26 [1] : vector<2048x8xi32> to vector<2048xi32>
    %broadcast_in_dim3A_28 = vector.shape_cast %reduce_min3A_27 : vector<2048xi32> to vector<2048x1xi32>
    %iota3A_29 = tpu.iota {dimensions = array<i32: 1>} : vector<2048x8xi32>
    %eq3A_30 = vector.broadcast %broadcast_in_dim3A_12 : vector<2048x1xi32> to vector<2048x8xi32>
    %eq3A_31 = arith.cmpi eq, %iota3A_29, %eq3A_30 : vector<2048x8xi32>
    %eq3A_32 = vector.broadcast %broadcast_in_dim3A_28 : vector<2048x1xi32> to vector<2048x8xi32>
    %eq3A_33 = arith.cmpi eq, %iota3A_29, %eq3A_32 : vector<2048x8xi32>
    %or3A = arith.ori %eq3A_31, %eq3A_33 : vector<2048x8xi1>
    %convert_element_type3A = arith.extui %or3A : vector<2048x8xi1> to vector<2048x8xi32>
    %convert_element_type3A_34 = arith.sitofp %convert_element_type3A : vector<2048x8xi32> to vector<2048x8xf32>
    %broadcast_in_dim3A_35 = arith.constant 0.000000e+00 : f32
    %broadcast_in_dim3A_36 = vector.broadcast %broadcast_in_dim3A_35 : f32 to vector<1x8xf32>
    %slice3A = vector.extract_strided_slice %convert_element_type3A_34 {offsets = [0, 0], sizes = [2047, 8], strides = [1, 1]} : vector<2048x8xf32> to vector<2047x8xf32>
    %concatenate3A = tpu.concatenate %broadcast_in_dim3A_36, %slice3A in 0 : vector<1x8xf32>, vector<2047x8xf32> -> vector<2048x8xf32>
    %add3A = arith.addf %convert_element_type3A_34, %concatenate3A : vector<2048x8xf32>
    %broadcast_in_dim3A_37 = arith.constant 0.000000e+00 : f32
    %broadcast_in_dim3A_38 = vector.broadcast %broadcast_in_dim3A_37 : f32 to vector<2x8xf32>
    %slice3A_39 = vector.extract_strided_slice %add3A {offsets = [0, 0], sizes = [2046, 8], strides = [1, 1]} : vector<2048x8xf32> to vector<2046x8xf32>
    %concatenate3A_40 = tpu.concatenate %broadcast_in_dim3A_38, %slice3A_39 in 0 : vector<2x8xf32>, vector<2046x8xf32> -> vector<2048x8xf32>
    %add3A_41 = arith.addf %add3A, %concatenate3A_40 : vector<2048x8xf32>
    %broadcast_in_dim3A_42 = arith.constant 0.000000e+00 : f32
    %broadcast_in_dim3A_43 = vector.broadcast %broadcast_in_dim3A_42 : f32 to vector<4x8xf32>
    %slice3A_44 = vector.extract_strided_slice %add3A_41 {offsets = [0, 0], sizes = [2044, 8], strides = [1, 1]} : vector<2048x8xf32> to vector<2044x8xf32>
    %concatenate3A_45 = tpu.concatenate %broadcast_in_dim3A_43, %slice3A_44 in 0 : vector<4x8xf32>, vector<2044x8xf32> -> vector<2048x8xf32>
    %add3A_46 = arith.addf %add3A_41, %concatenate3A_45 : vector<2048x8xf32>
    %broadcast_in_dim3A_47 = arith.constant 0.000000e+00 : f32
    %broadcast_in_dim3A_48 = vector.broadcast %broadcast_in_dim3A_47 : f32 to vector<8x8xf32>
    %slice3A_49 = vector.extract_strided_slice %add3A_46 {offsets = [0, 0], sizes = [2040, 8], strides = [1, 1]} : vector<2048x8xf32> to vector<2040x8xf32>
    %concatenate3A_50 = tpu.concatenate %broadcast_in_dim3A_48, %slice3A_49 in 0 : vector<8x8xf32>, vector<2040x8xf32> -> vector<2048x8xf32>
    %add3A_51 = arith.addf %add3A_46, %concatenate3A_50 : vector<2048x8xf32>
    %broadcast_in_dim3A_52 = arith.constant 0.000000e+00 : f32
    %broadcast_in_dim3A_53 = vector.broadcast %broadcast_in_dim3A_52 : f32 to vector<16x8xf32>
    %slice3A_54 = vector.extract_strided_slice %add3A_51 {offsets = [0, 0], sizes = [2032, 8], strides = [1, 1]} : vector<2048x8xf32> to vector<2032x8xf32>
    %concatenate3A_55 = tpu.concatenate %broadcast_in_dim3A_53, %slice3A_54 in 0 : vector<16x8xf32>, vector<2032x8xf32> -> vector<2048x8xf32>
    %add3A_56 = arith.addf %add3A_51, %concatenate3A_55 : vector<2048x8xf32>
    %broadcast_in_dim3A_57 = arith.constant 0.000000e+00 : f32
    %broadcast_in_dim3A_58 = vector.broadcast %broadcast_in_dim3A_57 : f32 to vector<32x8xf32>
    %slice3A_59 = vector.extract_strided_slice %add3A_56 {offsets = [0, 0], sizes = [2016, 8], strides = [1, 1]} : vector<2048x8xf32> to vector<2016x8xf32>
    %concatenate3A_60 = tpu.concatenate %broadcast_in_dim3A_58, %slice3A_59 in 0 : vector<32x8xf32>, vector<2016x8xf32> -> vector<2048x8xf32>
    %add3A_61 = arith.addf %add3A_56, %concatenate3A_60 : vector<2048x8xf32>
    %broadcast_in_dim3A_62 = arith.constant 0.000000e+00 : f32
    %broadcast_in_dim3A_63 = vector.broadcast %broadcast_in_dim3A_62 : f32 to vector<64x8xf32>
    %slice3A_64 = vector.extract_strided_slice %add3A_61 {offsets = [0, 0], sizes = [1984, 8], strides = [1, 1]} : vector<2048x8xf32> to vector<1984x8xf32>
    %concatenate3A_65 = tpu.concatenate %broadcast_in_dim3A_63, %slice3A_64 in 0 : vector<64x8xf32>, vector<1984x8xf32> -> vector<2048x8xf32>
    %add3A_66 = arith.addf %add3A_61, %concatenate3A_65 : vector<2048x8xf32>
    %broadcast_in_dim3A_67 = arith.constant 0.000000e+00 : f32
    %broadcast_in_dim3A_68 = vector.broadcast %broadcast_in_dim3A_67 : f32 to vector<128x8xf32>
    %slice3A_69 = vector.extract_strided_slice %add3A_66 {offsets = [0, 0], sizes = [1920, 8], strides = [1, 1]} : vector<2048x8xf32> to vector<1920x8xf32>
    %concatenate3A_70 = tpu.concatenate %broadcast_in_dim3A_68, %slice3A_69 in 0 : vector<128x8xf32>, vector<1920x8xf32> -> vector<2048x8xf32>
    %add3A_71 = arith.addf %add3A_66, %concatenate3A_70 : vector<2048x8xf32>
    %broadcast_in_dim3A_72 = arith.constant 0.000000e+00 : f32
    %broadcast_in_dim3A_73 = vector.broadcast %broadcast_in_dim3A_72 : f32 to vector<256x8xf32>
    %slice3A_74 = vector.extract_strided_slice %add3A_71 {offsets = [0, 0], sizes = [1792, 8], strides = [1, 1]} : vector<2048x8xf32> to vector<1792x8xf32>
    %concatenate3A_75 = tpu.concatenate %broadcast_in_dim3A_73, %slice3A_74 in 0 : vector<256x8xf32>, vector<1792x8xf32> -> vector<2048x8xf32>
    %add3A_76 = arith.addf %add3A_71, %concatenate3A_75 : vector<2048x8xf32>
    %broadcast_in_dim3A_77 = arith.constant 0.000000e+00 : f32
    %broadcast_in_dim3A_78 = vector.broadcast %broadcast_in_dim3A_77 : f32 to vector<512x8xf32>
    %slice3A_79 = vector.extract_strided_slice %add3A_76 {offsets = [0, 0], sizes = [1536, 8], strides = [1, 1]} : vector<2048x8xf32> to vector<1536x8xf32>
    %concatenate3A_80 = tpu.concatenate %broadcast_in_dim3A_78, %slice3A_79 in 0 : vector<512x8xf32>, vector<1536x8xf32> -> vector<2048x8xf32>
    %add3A_81 = arith.addf %add3A_76, %concatenate3A_80 : vector<2048x8xf32>
    %broadcast_in_dim3A_82 = arith.constant 0.000000e+00 : f32
    %broadcast_in_dim3A_83 = vector.broadcast %broadcast_in_dim3A_82 : f32 to vector<1024x8xf32>
    %slice3A_84 = vector.extract_strided_slice %add3A_81 {offsets = [0, 0], sizes = [1024, 8], strides = [1, 1]} : vector<2048x8xf32> to vector<1024x8xf32>
    %concatenate3A_85 = tpu.concatenate %broadcast_in_dim3A_83, %slice3A_84 in 0 : vector<1024x8xf32>, vector<1024x8xf32> -> vector<2048x8xf32>
    %add3A_86 = arith.addf %add3A_81, %concatenate3A_85 : vector<2048x8xf32>
    %sub3A = arith.subf %add3A_86, %convert_element_type3A_34 : vector<2048x8xf32>
    %slice3A_87 = vector.extract_strided_slice %add3A_86 {offsets = [2047, 0], sizes = [1, 8], strides = [1, 1]} : vector<2048x8xf32> to vector<1x8xf32>
    %broadcast_in_dim3A_88 = arith.constant 0.000000e+00 : f32
    %broadcast_in_dim3A_89 = vector.broadcast %broadcast_in_dim3A_88 : f32 to vector<1x1xf32>
    %slice3A_90 = vector.extract_strided_slice %slice3A_87 {offsets = [0, 0], sizes = [1, 7], strides = [1, 1]} : vector<1x8xf32> to vector<1x7xf32>
    %concatenate3A_91 = tpu.concatenate %broadcast_in_dim3A_89, %slice3A_90 in 1 : vector<1x1xf32>, vector<1x7xf32> -> vector<1x8xf32>
    %add3A_92 = arith.addf %slice3A_87, %concatenate3A_91 : vector<1x8xf32>
    %broadcast_in_dim3A_93 = arith.constant 0.000000e+00 : f32
    %broadcast_in_dim3A_94 = vector.broadcast %broadcast_in_dim3A_93 : f32 to vector<1x2xf32>
    %slice3A_95 = vector.extract_strided_slice %add3A_92 {offsets = [0, 0], sizes = [1, 6], strides = [1, 1]} : vector<1x8xf32> to vector<1x6xf32>
    %concatenate3A_96 = tpu.concatenate %broadcast_in_dim3A_94, %slice3A_95 in 1 : vector<1x2xf32>, vector<1x6xf32> -> vector<1x8xf32>
    %add3A_97 = arith.addf %add3A_92, %concatenate3A_96 : vector<1x8xf32>
    %broadcast_in_dim3A_98 = arith.constant 0.000000e+00 : f32
    %broadcast_in_dim3A_99 = vector.broadcast %broadcast_in_dim3A_98 : f32 to vector<1x4xf32>
    %slice3A_100 = vector.extract_strided_slice %add3A_97 {offsets = [0, 0], sizes = [1, 4], strides = [1, 1]} : vector<1x8xf32> to vector<1x4xf32>
    %concatenate3A_101 = tpu.concatenate %broadcast_in_dim3A_99, %slice3A_100 in 1 : vector<1x4xf32>, vector<1x4xf32> -> vector<1x8xf32>
    %add3A_102 = arith.addf %add3A_97, %concatenate3A_101 : vector<1x8xf32>
    %sub3A_103 = arith.subf %add3A_102, %slice3A_87 : vector<1x8xf32>
    %add3A_104 = vector.broadcast %sub3A_103 : vector<1x8xf32> to vector<2048x8xf32>
    %add3A_105 = arith.addf %add3A_104, %sub3A : vector<2048x8xf32>
    %eq3A_106 = vector.broadcast %broadcast_in_dim3A_12 : vector<2048x1xi32> to vector<2048x8xi32>
    %eq3A_107 = arith.cmpi eq, %iota3A_29, %eq3A_106 : vector<2048x8xi32>
    %jit3A_108 = arith.constant 0.000000e+00 : f32
    %broadcast_in_dim3A_109 = vector.broadcast %jit3A_108 : f32 to vector<2048x8xf32>
    %select_n3A_110 = arith.select %eq3A_107, %add3A_105, %broadcast_in_dim3A_109 : vector<2048x8xi1>, vector<2048x8xf32>
    %reduce_sum3A = arith.constant dense<0.000000e+00> : vector<2048xf32>
    %reduce_sum3A_111 = vector.multi_reduction <add>, %select_n3A_110, %reduce_sum3A [1] : vector<2048x8xf32> to vector<2048xf32>
    %broadcast_in_dim3A_112 = vector.shape_cast %reduce_sum3A_111 : vector<2048xf32> to vector<2048x1xf32>
    %add3A_113 = vector.broadcast %sub3A_103 : vector<1x8xf32> to vector<2048x8xf32>
    %add3A_114 = arith.addf %add3A_113, %sub3A : vector<2048x8xf32>
    %eq3A_115 = vector.broadcast %broadcast_in_dim3A_28 : vector<2048x1xi32> to vector<2048x8xi32>
    %eq3A_116 = arith.cmpi eq, %iota3A_29, %eq3A_115 : vector<2048x8xi32>
    %jit3A_117 = arith.constant 0.000000e+00 : f32
    %broadcast_in_dim3A_118 = vector.broadcast %jit3A_117 : f32 to vector<2048x8xf32>
    %select_n3A_119 = arith.select %eq3A_116, %add3A_114, %broadcast_in_dim3A_118 : vector<2048x8xi1>, vector<2048x8xf32>
    %reduce_sum3A_120 = arith.constant dense<0.000000e+00> : vector<2048xf32>
    %reduce_sum3A_121 = vector.multi_reduction <add>, %select_n3A_119, %reduce_sum3A_120 [1] : vector<2048x8xf32> to vector<2048xf32>
    %broadcast_in_dim3A_122 = vector.shape_cast %reduce_sum3A_121 : vector<2048xf32> to vector<2048x1xf32>
    %concatenate3A_123 = tpu.concatenate %broadcast_in_dim3A_112, %broadcast_in_dim3A_122 in 1 : vector<2048x1xf32>, vector<2048x1xf32> -> vector<2048x2xf32>
    %convert_element_type3A_124 = arith.fptosi %concatenate3A_123 : vector<2048x2xf32> to vector<2048x2xi32>
    %swap3A_125 = arith.constant 0 : index
    %swap3A_126 = arith.constant 0 : index
    %swap3A_127 = vector.load %arg3[%swap3A_125, %swap3A_126] : memref<2048x2xi32, #tpu.memory_space<vmem>>, vector<2048x2xi32>
    tpu.vector_store %arg3[%swap3A_125, %swap3A_126], %convert_element_type3A_124 {strides = array<i32>} : memref<2048x2xi32, #tpu.memory_space<vmem>>, vector<2048x2xi32>,
    %convert_element_type3A_128 = arith.fptosi %slice3A_87 : vector<1x8xf32> to vector<1x8xi32>
    %convert_element_type3A_129 = arith.fptosi %sub3A_103 : vector<1x8xf32> to vector<1x8xi32>
    %jit3A_130 = arith.constant 256 : i32
    %div3A = vector.broadcast %jit3A_130 : i32 to vector<1x8xi32>
    %div3A_131 = arith.divsi %convert_element_type3A_129, %div3A : vector<1x8xi32>
    %sign3A = arith.constant 0 : i32
    %sign3A_132 = vector.broadcast %sign3A : i32 to vector<1x8xi32>
    %sign3A_133 = arith.cmpi sgt, %convert_element_type3A_129, %sign3A_132 : vector<1x8xi32>
    %sign3A_134 = arith.extui %sign3A_133 : vector<1x8xi1> to vector<1x8xi32>
    %sign3A_135 = arith.constant 0 : i32
    %sign3A_136 = vector.broadcast %sign3A_135 : i32 to vector<1x8xi32>
    %sign3A_137 = arith.cmpi slt, %convert_element_type3A_129, %sign3A_136 : vector<1x8xi32>
    %sign3A_138 = arith.extui %sign3A_137 : vector<1x8xi1> to vector<1x8xi32>
    %sign3A_139 = arith.subi %sign3A_134, %sign3A_138 : vector<1x8xi32>
    %sign3A_140 = arith.constant 0 : i32
    %sign3A_141 = arith.cmpi sgt, %jit3A_130, %sign3A_140 : i32
    %sign3A_142 = arith.extui %sign3A_141 : i1 to i32
    %sign3A_143 = arith.constant 0 : i32
    %sign3A_144 = arith.cmpi slt, %jit3A_130, %sign3A_143 : i32
    %sign3A_145 = arith.extui %sign3A_144 : i1 to i32
    %sign3A_146 = arith.subi %sign3A_142, %sign3A_145 : i32
    %ne3A = vector.broadcast %sign3A_146 : i32 to vector<1x8xi32>
    %ne3A_147 = arith.cmpi ne, %sign3A_139, %ne3A : vector<1x8xi32>
    %rem3A = vector.broadcast %jit3A_130 : i32 to vector<1x8xi32>
    %rem3A_148 = arith.remsi %convert_element_type3A_129, %rem3A : vector<1x8xi32>
    %ne3A_149 = arith.constant 0 : i32
    %ne3A_150 = vector.broadcast %ne3A_149 : i32 to vector<1x8xi32>
    %ne3A_151 = arith.cmpi ne, %rem3A_148, %ne3A_150 : vector<1x8xi32>
    %and3A = arith.andi %ne3A_147, %ne3A_151 : vector<1x8xi1>
    %sub3A_152 = arith.constant 1 : i32
    %sub3A_153 = vector.broadcast %sub3A_152 : i32 to vector<1x8xi32>
    %sub3A_154 = arith.subi %div3A_131, %sub3A_153 : vector<1x8xi32>
    %select_n3A_155 = arith.select %and3A, %sub3A_154, %div3A_131 : vector<1x8xi1>, vector<1x8xi32>
    %gt3A = arith.constant 0 : i32
    %gt3A_156 = vector.broadcast %gt3A : i32 to vector<1x8xi32>
    %gt3A_157 = arith.cmpi sgt, %convert_element_type3A_128, %gt3A_156 : vector<1x8xi32>
    %add3A_158 = arith.addi %convert_element_type3A_129, %convert_element_type3A_128 : vector<1x8xi32>
    %sub3A_159 = arith.constant 1 : i32
    %sub3A_160 = vector.broadcast %sub3A_159 : i32 to vector<1x8xi32>
    %sub3A_161 = arith.subi %add3A_158, %sub3A_160 : vector<1x8xi32>
    %jit3A_162 = arith.constant 256 : i32
    %div3A_163 = vector.broadcast %jit3A_162 : i32 to vector<1x8xi32>
    %div3A_164 = arith.divsi %sub3A_161, %div3A_163 : vector<1x8xi32>
    %sign3A_165 = arith.constant 0 : i32
    %sign3A_166 = vector.broadcast %sign3A_165 : i32 to vector<1x8xi32>
    %sign3A_167 = arith.cmpi sgt, %sub3A_161, %sign3A_166 : vector<1x8xi32>
    %sign3A_168 = arith.extui %sign3A_167 : vector<1x8xi1> to vector<1x8xi32>
    %sign3A_169 = arith.constant 0 : i32
    %sign3A_170 = vector.broadcast %sign3A_169 : i32 to vector<1x8xi32>
    %sign3A_171 = arith.cmpi slt, %sub3A_161, %sign3A_170 : vector<1x8xi32>
    %sign3A_172 = arith.extui %sign3A_171 : vector<1x8xi1> to vector<1x8xi32>
    %sign3A_173 = arith.subi %sign3A_168, %sign3A_172 : vector<1x8xi32>
    %sign3A_174 = arith.constant 0 : i32
    %sign3A_175 = arith.cmpi sgt, %jit3A_162, %sign3A_174 : i32
    %sign3A_176 = arith.extui %sign3A_175 : i1 to i32
    %sign3A_177 = arith.constant 0 : i32
    %sign3A_178 = arith.cmpi slt, %jit3A_162, %sign3A_177 : i32
    %sign3A_179 = arith.extui %sign3A_178 : i1 to i32
    %sign3A_180 = arith.subi %sign3A_176, %sign3A_179 : i32
    %ne3A_181 = vector.broadcast %sign3A_180 : i32 to vector<1x8xi32>
    %ne3A_182 = arith.cmpi ne, %sign3A_173, %ne3A_181 : vector<1x8xi32>
    %rem3A_183 = vector.broadcast %jit3A_162 : i32 to vector<1x8xi32>
    %rem3A_184 = arith.remsi %sub3A_161, %rem3A_183 : vector<1x8xi32>
    %ne3A_185 = arith.constant 0 : i32
    %ne3A_186 = vector.broadcast %ne3A_185 : i32 to vector<1x8xi32>
    %ne3A_187 = arith.cmpi ne, %rem3A_184, %ne3A_186 : vector<1x8xi32>
    %and3A_188 = arith.andi %ne3A_182, %ne3A_187 : vector<1x8xi1>
    %sub3A_189 = arith.constant 1 : i32
    %sub3A_190 = vector.broadcast %sub3A_189 : i32 to vector<1x8xi32>
    %sub3A_191 = arith.subi %div3A_164, %sub3A_190 : vector<1x8xi32>
    %select_n3A_192 = arith.select %and3A_188, %sub3A_191, %div3A_164 : vector<1x8xi1>, vector<1x8xi32>
    %jit3A_193 = arith.constant -1 : i32
    %broadcast_in_dim3A_194 = vector.broadcast %jit3A_193 : i32 to vector<1x8xi32>
    %select_n3A_195 = arith.select %gt3A_157, %select_n3A_192, %broadcast_in_dim3A_194 : vector<1x8xi1>, vector<1x8xi32>
    %gt3A_196 = arith.constant 0 : i32
    %gt3A_197 = vector.broadcast %gt3A_196 : i32 to vector<1x8xi32>
    %gt3A_198 = arith.cmpi sgt, %convert_element_type3A_128, %gt3A_197 : vector<1x8xi32>
    %sub3A_199 = arith.subi %select_n3A_195, %select_n3A_155 : vector<1x8xi32>
    %add3A_200 = arith.constant 1 : i32
    %add3A_201 = vector.broadcast %add3A_200 : i32 to vector<1x8xi32>
    %add3A_202 = arith.addi %sub3A_199, %add3A_201 : vector<1x8xi32>
    %jit3A_203 = arith.constant 0 : i32
    %broadcast_in_dim3A_204 = vector.broadcast %jit3A_203 : i32 to vector<1x8xi32>
    %select_n3A_205 = arith.select %gt3A_198, %add3A_202, %broadcast_in_dim3A_204 : vector<1x8xi1>, vector<1x8xi32>
    %broadcast_in_dim3A_206 = arith.constant 0 : i32
    %broadcast_in_dim3A_207 = vector.broadcast %broadcast_in_dim3A_206 : i32 to vector<1x1xi32>
    %slice3A_208 = vector.extract_strided_slice %select_n3A_205 {offsets = [0, 0], sizes = [1, 7], strides = [1, 1]} : vector<1x8xi32> to vector<1x7xi32>
    %concatenate3A_209 = tpu.concatenate %broadcast_in_dim3A_207, %slice3A_208 in 1 : vector<1x1xi32>, vector<1x7xi32> -> vector<1x8xi32>
    %add3A_210 = arith.addi %select_n3A_205, %concatenate3A_209 : vector<1x8xi32>
    %broadcast_in_dim3A_211 = arith.constant 0 : i32
    %broadcast_in_dim3A_212 = vector.broadcast %broadcast_in_dim3A_211 : i32 to vector<1x2xi32>
    %slice3A_213 = vector.extract_strided_slice %add3A_210 {offsets = [0, 0], sizes = [1, 6], strides = [1, 1]} : vector<1x8xi32> to vector<1x6xi32>
    %concatenate3A_214 = tpu.concatenate %broadcast_in_dim3A_212, %slice3A_213 in 1 : vector<1x2xi32>, vector<1x6xi32> -> vector<1x8xi32>
    %add3A_215 = arith.addi %add3A_210, %concatenate3A_214 : vector<1x8xi32>
    %broadcast_in_dim3A_216 = arith.constant 0 : i32
    %broadcast_in_dim3A_217 = vector.broadcast %broadcast_in_dim3A_216 : i32 to vector<1x4xi32>
    %slice3A_218 = vector.extract_strided_slice %add3A_215 {offsets = [0, 0], sizes = [1, 4], strides = [1, 1]} : vector<1x8xi32> to vector<1x4xi32>
    %concatenate3A_219 = tpu.concatenate %broadcast_in_dim3A_217, %slice3A_218 in 1 : vector<1x4xi32>, vector<1x4xi32> -> vector<1x8xi32>
    %add3A_220 = arith.addi %add3A_215, %concatenate3A_219 : vector<1x8xi32>
    %sub3A_221 = arith.subi %add3A_220, %select_n3A_205 : vector<1x8xi32>
    %reduce_sum3A_222 = arith.constant dense<0> : vector<1xi32>
    %reduce_sum3A_223 = vector.multi_reduction <add>, %select_n3A_205, %reduce_sum3A_222 [1] : vector<1x8xi32> to vector<1xi32>
    %broadcast_in_dim3A_224 = vector.shape_cast %reduce_sum3A_223 : vector<1xi32> to vector<1x1xi32>
    %iota3A_225 = tpu.iota {dimensions = array<i32: 1>} : vector<23x8xi32>
    %iota3A_226 = tpu.iota {dimensions = array<i32: 0>} : vector<23x8xi32>
    %le3A = vector.broadcast %sub3A_221 : vector<1x8xi32> to vector<23x8xi32>
    %le3A_227 = arith.cmpi sle, %le3A, %iota3A_226 : vector<23x8xi32>
    %jit3A_228 = arith.constant 1 : i32
    %jit3A_229 = arith.constant 0 : i32
    %broadcast_in_dim3A_230 = vector.broadcast %jit3A_228 : i32 to vector<23x8xi32>
    %broadcast_in_dim3A_231 = vector.broadcast %jit3A_229 : i32 to vector<23x8xi32>
    %select_n3A_232 = arith.select %le3A_227, %broadcast_in_dim3A_230, %broadcast_in_dim3A_231 : vector<23x8xi1>, vector<23x8xi32>
    %reduce_sum3A_233 = arith.constant dense<0> : vector<23xi32>
    %reduce_sum3A_234 = vector.multi_reduction <add>, %select_n3A_232, %reduce_sum3A_233 [1] : vector<23x8xi32> to vector<23xi32>
    %broadcast_in_dim3A_235 = vector.shape_cast %reduce_sum3A_234 : vector<23xi32> to vector<23x1xi32>
    %sub3A_236 = arith.constant 1 : i32
    %sub3A_237 = vector.broadcast %sub3A_236 : i32 to vector<23x1xi32>
    %sub3A_238 = arith.subi %broadcast_in_dim3A_235, %sub3A_237 : vector<23x1xi32>
    %iota3A_239 = tpu.iota {dimensions = array<i32: 0>} : vector<23x1xi32>
    %lt3A = vector.broadcast %broadcast_in_dim3A_224 : vector<1x1xi32> to vector<23x1xi32>
    %lt3A_240 = arith.cmpi slt, %iota3A_239, %lt3A : vector<23x1xi32>
    %eq3A_241 = vector.broadcast %sub3A_238 : vector<23x1xi32> to vector<23x8xi32>
    %eq3A_242 = arith.cmpi eq, %iota3A_225, %eq3A_241 : vector<23x8xi32>
    %jit3A_243 = arith.constant 0 : i32
    %broadcast_in_dim3A_244 = vector.shape_cast %select_n3A_155 : vector<1x8xi32> to vector<1x8xi32>
    %broadcast_in_dim3A_245 = vector.broadcast %broadcast_in_dim3A_244 : vector<1x8xi32> to vector<23x8xi32>
    %broadcast_in_dim3A_246 = vector.broadcast %jit3A_243 : i32 to vector<23x8xi32>
    %select_n3A_247 = arith.select %eq3A_242, %broadcast_in_dim3A_245, %broadcast_in_dim3A_246 : vector<23x8xi1>, vector<23x8xi32>
    %reduce_sum3A_248 = arith.constant dense<0> : vector<23xi32>
    %reduce_sum3A_249 = vector.multi_reduction <add>, %select_n3A_247, %reduce_sum3A_248 [1] : vector<23x8xi32> to vector<23xi32>
    %broadcast_in_dim3A_250 = vector.shape_cast %reduce_sum3A_249 : vector<23xi32> to vector<23x1xi32>
    %eq3A_251 = vector.broadcast %sub3A_238 : vector<23x1xi32> to vector<23x8xi32>
    %eq3A_252 = arith.cmpi eq, %iota3A_225, %eq3A_251 : vector<23x8xi32>
    %jit3A_253 = arith.constant 0 : i32
    %broadcast_in_dim3A_254 = vector.shape_cast %sub3A_221 : vector<1x8xi32> to vector<1x8xi32>
    %broadcast_in_dim3A_255 = vector.broadcast %broadcast_in_dim3A_254 : vector<1x8xi32> to vector<23x8xi32>
    %broadcast_in_dim3A_256 = vector.broadcast %jit3A_253 : i32 to vector<23x8xi32>
    %select_n3A_257 = arith.select %eq3A_252, %broadcast_in_dim3A_255, %broadcast_in_dim3A_256 : vector<23x8xi1>, vector<23x8xi32>
    %reduce_sum3A_258 = arith.constant dense<0> : vector<23xi32>
    %reduce_sum3A_259 = vector.multi_reduction <add>, %select_n3A_257, %reduce_sum3A_258 [1] : vector<23x8xi32> to vector<23xi32>
    %broadcast_in_dim3A_260 = vector.shape_cast %reduce_sum3A_259 : vector<23xi32> to vector<23x1xi32>
    %sub3A_261 = arith.subi %iota3A_239, %broadcast_in_dim3A_260 : vector<23x1xi32>
    %add3A_262 = arith.addi %broadcast_in_dim3A_250, %sub3A_261 : vector<23x1xi32>
    %eq3A_263 = vector.broadcast %sub3A_238 : vector<23x1xi32> to vector<23x8xi32>
    %eq3A_264 = arith.cmpi eq, %iota3A_225, %eq3A_263 : vector<23x8xi32>
    %jit3A_265 = arith.constant 0 : i32
    %broadcast_in_dim3A_266 = vector.shape_cast %convert_element_type3A_129 : vector<1x8xi32> to vector<1x8xi32>
    %broadcast_in_dim3A_267 = vector.broadcast %broadcast_in_dim3A_266 : vector<1x8xi32> to vector<23x8xi32>
    %broadcast_in_dim3A_268 = vector.broadcast %jit3A_265 : i32 to vector<23x8xi32>
    %select_n3A_269 = arith.select %eq3A_264, %broadcast_in_dim3A_267, %broadcast_in_dim3A_268 : vector<23x8xi1>, vector<23x8xi32>
    %reduce_sum3A_270 = arith.constant dense<0> : vector<23xi32>
    %reduce_sum3A_271 = vector.multi_reduction <add>, %select_n3A_269, %reduce_sum3A_270 [1] : vector<23x8xi32> to vector<23xi32>
    %broadcast_in_dim3A_272 = vector.shape_cast %reduce_sum3A_271 : vector<23xi32> to vector<23x1xi32>
    %mul3A = arith.constant 256 : i32
    %mul3A_273 = vector.broadcast %mul3A : i32 to vector<23x1xi32>
    %mul3A_274 = arith.muli %add3A_262, %mul3A_273 : vector<23x1xi32>
    %max3A = arith.maxsi %broadcast_in_dim3A_272, %mul3A_274 : vector<23x1xi32>
    %eq3A_275 = vector.broadcast %sub3A_238 : vector<23x1xi32> to vector<23x8xi32>
    %eq3A_276 = arith.cmpi eq, %iota3A_225, %eq3A_275 : vector<23x8xi32>
    %jit3A_277 = arith.constant 0 : i32
    %broadcast_in_dim3A_278 = vector.shape_cast %convert_element_type3A_129 : vector<1x8xi32> to vector<1x8xi32>
    %broadcast_in_dim3A_279 = vector.broadcast %broadcast_in_dim3A_278 : vector<1x8xi32> to vector<23x8xi32>
    %broadcast_in_dim3A_280 = vector.broadcast %jit3A_277 : i32 to vector<23x8xi32>
    %select_n3A_281 = arith.select %eq3A_276, %broadcast_in_dim3A_279, %broadcast_in_dim3A_280 : vector<23x8xi1>, vector<23x8xi32>
    %reduce_sum3A_282 = arith.constant dense<0> : vector<23xi32>
    %reduce_sum3A_283 = vector.multi_reduction <add>, %select_n3A_281, %reduce_sum3A_282 [1] : vector<23x8xi32> to vector<23xi32>
    %broadcast_in_dim3A_284 = vector.shape_cast %reduce_sum3A_283 : vector<23xi32> to vector<23x1xi32>
    %eq3A_285 = vector.broadcast %sub3A_238 : vector<23x1xi32> to vector<23x8xi32>
    %eq3A_286 = arith.cmpi eq, %iota3A_225, %eq3A_285 : vector<23x8xi32>
    %jit3A_287 = arith.constant 0 : i32
    %broadcast_in_dim3A_288 = vector.shape_cast %convert_element_type3A_128 : vector<1x8xi32> to vector<1x8xi32>
    %broadcast_in_dim3A_289 = vector.broadcast %broadcast_in_dim3A_288 : vector<1x8xi32> to vector<23x8xi32>
    %broadcast_in_dim3A_290 = vector.broadcast %jit3A_287 : i32 to vector<23x8xi32>
    %select_n3A_291 = arith.select %eq3A_286, %broadcast_in_dim3A_289, %broadcast_in_dim3A_290 : vector<23x8xi1>, vector<23x8xi32>
    %reduce_sum3A_292 = arith.constant dense<0> : vector<23xi32>
    %reduce_sum3A_293 = vector.multi_reduction <add>, %select_n3A_291, %reduce_sum3A_292 [1] : vector<23x8xi32> to vector<23xi32>
    %broadcast_in_dim3A_294 = vector.shape_cast %reduce_sum3A_293 : vector<23xi32> to vector<23x1xi32>
    %add3A_295 = arith.addi %broadcast_in_dim3A_284, %broadcast_in_dim3A_294 : vector<23x1xi32>
    %add3A_296 = arith.constant 1 : i32
    %add3A_297 = vector.broadcast %add3A_296 : i32 to vector<23x1xi32>
    %add3A_298 = arith.addi %add3A_262, %add3A_297 : vector<23x1xi32>
    %mul3A_299 = arith.constant 256 : i32
    %mul3A_300 = vector.broadcast %mul3A_299 : i32 to vector<23x1xi32>
    %mul3A_301 = arith.muli %add3A_298, %mul3A_300 : vector<23x1xi32>
    %min3A = arith.minsi %add3A_295, %mul3A_301 : vector<23x1xi32>
    %jit3A_302 = arith.constant 15 : i32
    %broadcast_in_dim3A_303 = vector.broadcast %jit3A_302 : i32 to vector<23x1xi32>
    %select_n3A_304 = arith.select %lt3A_240, %add3A_262, %broadcast_in_dim3A_303 : vector<23x1xi1>, vector<23x1xi32>
    %jit3A_305 = arith.constant 0 : i32
    %jit3A_306 = arith.constant 7 : i32
    %max3A_307 = vector.broadcast %jit3A_305 : i32 to vector<23x1xi32>
    %max3A_308 = arith.maxsi %max3A_307, %sub3A_238 : vector<23x1xi32>
    %min3A_309 = vector.broadcast %jit3A_306 : i32 to vector<23x1xi32>
    %min3A_310 = arith.minsi %min3A_309, %max3A_308 : vector<23x1xi32>
    %jit3A_311 = arith.constant 7 : i32
    %broadcast_in_dim3A_312 = vector.broadcast %jit3A_311 : i32 to vector<23x1xi32>
    %select_n3A_313 = arith.select %lt3A_240, %min3A_310, %broadcast_in_dim3A_312 : vector<23x1xi1>, vector<23x1xi32>
    %jit3A_314 = arith.constant 0 : i32
    %broadcast_in_dim3A_315 = vector.broadcast %jit3A_314 : i32 to vector<23x1xi32>
    %select_n3A_316 = arith.select %lt3A_240, %max3A, %broadcast_in_dim3A_315 : vector<23x1xi1>, vector<23x1xi32>
    %jit3A_317 = arith.constant 0 : i32
    %broadcast_in_dim3A_318 = vector.broadcast %jit3A_317 : i32 to vector<23x1xi32>
    %select_n3A_319 = arith.select %lt3A_240, %min3A, %broadcast_in_dim3A_318 : vector<23x1xi1>, vector<23x1xi32>
    %concatenate3A_320 = tpu.concatenate %select_n3A_304, %select_n3A_313, %select_n3A_316, %select_n3A_319 in 1 : vector<23x1xi32>, vector<23x1xi32>, vector<23x1xi32>, vector<23x1xi32> -> vector<23x4xi32>
    %swap3A_321 = arith.constant 0 : index
    %swap3A_322 = arith.constant 0 : index
    %swap3A_323 = vector.load %arg4[%swap3A_321, %swap3A_322] : memref<23x4xi32, #tpu.memory_space<vmem>>, vector<23x4xi32>
    tpu.vector_store %arg4[%swap3A_321, %swap3A_322], %concatenate3A_320 {strides = array<i32>} : memref<23x4xi32, #tpu.memory_space<vmem>>, vector<23x4xi32>,
    return
  }
}

module attributes {stable_mosaic.version = 14 : i64} {
  func.func @_group_body(%arg0: i32, %arg1: memref<23x4xi32, #tpu.memory_space<smem>>, %arg2: memref<256x1024xf32, #tpu.memory_space<vmem>>, %arg3: memref<1024x8xf32, #tpu.memory_space<vmem>>, %arg4: memref<1x1024x512xf32, #tpu.memory_space<vmem>>, %arg5: memref<1x1024x512xf32, #tpu.memory_space<vmem>>, %arg6: memref<1x512x1024xf32, #tpu.memory_space<vmem>>, %arg7: memref<256x1024xf32, #tpu.memory_space<vmem>>) attributes {dimension_semantics = [#tpu.dimension_semantics<arbitrary>], iteration_bounds = array<i64: 23>, scalar_prefetch = 1 : i64, scratch_operands = 0 : i64, tpu.core_type = #tpu.core_type<tc>, window_params = [{transform_indices = @transform_0, window_bounds = array<i64: 256, 1024>}, {pipeline_mode = #tpu.pipeline_mode<synchronous>, transform_indices = @transform_1, window_bounds = array<i64: 1024, 8>}, {transform_indices = @transform_2, window_bounds = array<i64: 1, 1024, 512>}, {transform_indices = @transform_3, window_bounds = array<i64: 1, 1024, 512>}, {transform_indices = @transform_4, window_bounds = array<i64: 1, 512, 1024>}, {transform_indices = @transform_5, window_bounds = array<i64: 256, 1024>}]} {
    %get3A = arith.index_cast %arg0 : i32 to index
    %get3A_0 = arith.constant 1 : index
    %get3A_1 = memref.load %arg1[%get3A, %get3A_0] : memref<23x4xi32, #tpu.memory_space<smem>>
    %get3A_2 = arith.index_cast %arg0 : i32 to index
    %get3A_3 = arith.constant 2 : index
    %get3A_4 = memref.load %arg1[%get3A_2, %get3A_3] : memref<23x4xi32, #tpu.memory_space<smem>>
    %get3A_5 = arith.index_cast %arg0 : i32 to index
    %get3A_6 = arith.constant 3 : index
    %get3A_7 = memref.load %arg1[%get3A_5, %get3A_6] : memref<23x4xi32, #tpu.memory_space<smem>>
    %gt3A = arith.cmpi sgt, %get3A_7, %get3A_4 : i32
    %convert_element_type3A = arith.extui %gt3A : i1 to i32
    %cond3A = arith.constant 0 : i32
    %cond3A_8 = arith.cmpi ne, %convert_element_type3A, %cond3A : i32
    scf.if %cond3A_8 {
      %get3A_9 = arith.constant 0 : index
      %get3A_10 = arith.constant 0 : index
      %get3A_11 = vector.load %arg2[%get3A_9, %get3A_10] : memref<256x1024xf32, #tpu.memory_space<vmem>>, vector<256x1024xf32>
      %get3A_12 = arith.constant 0 : index
      %get3A_13 = arith.constant 0 : index
      %get3A_14 = vector.load %arg3[%get3A_12, %get3A_13] : memref<1024x8xf32, #tpu.memory_space<vmem>>, vector<1024x8xf32>
      %dot_general3A = arith.constant dense<0.000000e+00> : vector<256x8xf32>
      %dot_general3A_15 = tpu.matmul %get3A_11, %get3A_14, %dot_general3A {dimension_numbers = #tpu.dot_dimension_numbers<[1], [0], [0], [1], [0, 0, 1, 1], [], []>, transpose_lhs_hint = false} : vector<256x1024xf32>, vector<1024x8xf32>, vector<256x8xf32> -> vector<256x8xf32>
      %iota3A = tpu.iota {dimensions = array<i32: 1>} : vector<256x8xi32>
      %reduce_max3A = arith.constant dense<0xFF800000> : vector<256xf32>
      %reduce_max3A_16 = vector.multi_reduction <maximumf>, %dot_general3A_15, %reduce_max3A [1] : vector<256x8xf32> to vector<256xf32>
      %broadcast_in_dim3A = vector.shape_cast %reduce_max3A_16 : vector<256xf32> to vector<256x1xf32>
      %eq3A = vector.broadcast %broadcast_in_dim3A : vector<256x1xf32> to vector<256x8xf32>
      %eq3A_17 = arith.cmpf oeq, %dot_general3A_15, %eq3A : vector<256x8xf32>
      %jit3A = arith.constant 0xFF800000 : f32
      %broadcast_in_dim3A_18 = vector.broadcast %jit3A : f32 to vector<256x8xf32>
      %select_n3A = arith.select %eq3A_17, %broadcast_in_dim3A_18, %dot_general3A_15 : vector<256x8xi1>, vector<256x8xf32>
      %reduce_max3A_19 = arith.constant dense<0xFF800000> : vector<256xf32>
      %reduce_max3A_20 = vector.multi_reduction <maximumf>, %select_n3A, %reduce_max3A_19 [1] : vector<256x8xf32> to vector<256xf32>
      %broadcast_in_dim3A_21 = vector.shape_cast %reduce_max3A_20 : vector<256xf32> to vector<256x1xf32>
      %eq3A_22 = vector.broadcast %get3A_1 : i32 to vector<256x8xi32>
      %eq3A_23 = arith.cmpi eq, %iota3A, %eq3A_22 : vector<256x8xi32>
      %jit3A_24 = arith.constant 0.000000e+00 : f32
      %broadcast_in_dim3A_25 = vector.broadcast %jit3A_24 : f32 to vector<256x8xf32>
      %select_n3A_26 = arith.select %eq3A_23, %dot_general3A_15, %broadcast_in_dim3A_25 : vector<256x8xi1>, vector<256x8xf32>
      %reduce_sum3A = arith.constant dense<0.000000e+00> : vector<256xf32>
      %reduce_sum3A_27 = vector.multi_reduction <add>, %select_n3A_26, %reduce_sum3A [1] : vector<256x8xf32> to vector<256xf32>
      %broadcast_in_dim3A_28 = vector.shape_cast %reduce_sum3A_27 : vector<256xf32> to vector<256x1xf32>
      %sub3A = arith.subf %broadcast_in_dim3A_28, %broadcast_in_dim3A : vector<256x1xf32>
      %exp3A = math.exp %sub3A : vector<256x1xf32>
      %sub3A_29 = arith.subf %broadcast_in_dim3A_21, %broadcast_in_dim3A : vector<256x1xf32>
      %exp3A_30 = math.exp %sub3A_29 : vector<256x1xf32>
      %add3A = arith.constant 1.000000e+00 : f32
      %add3A_31 = vector.broadcast %add3A : f32 to vector<256x1xf32>
      %add3A_32 = arith.addf %add3A_31, %exp3A_30 : vector<256x1xf32>
      %div3A = arith.divf %exp3A, %add3A_32 : vector<256x1xf32>
      %get3A_33 = arith.constant 0 : index
      %get3A_34 = arith.constant 0 : index
      %get3A_35 = arith.constant 0 : index
      %get3A_36 = vector.load %arg4[%get3A_33, %get3A_34, %get3A_35] : memref<1x1024x512xf32, #tpu.memory_space<vmem>>, vector<1x1024x512xf32>
      %get3A_37 = vector.shape_cast %get3A_36 : vector<1x1024x512xf32> to vector<1024x512xf32>
      %dot_general3A_38 = arith.constant dense<0.000000e+00> : vector<256x512xf32>
      %dot_general3A_39 = tpu.matmul %get3A_11, %get3A_37, %dot_general3A_38 {dimension_numbers = #tpu.dot_dimension_numbers<[1], [0], [0], [1], [0, 0, 1, 1], [], []>, transpose_lhs_hint = false} : vector<256x1024xf32>, vector<1024x512xf32>, vector<256x512xf32> -> vector<256x512xf32>
      %get3A_40 = arith.constant 0 : index
      %get3A_41 = arith.constant 0 : index
      %get3A_42 = arith.constant 0 : index
      %get3A_43 = vector.load %arg5[%get3A_40, %get3A_41, %get3A_42] : memref<1x1024x512xf32, #tpu.memory_space<vmem>>, vector<1x1024x512xf32>
      %get3A_44 = vector.shape_cast %get3A_43 : vector<1x1024x512xf32> to vector<1024x512xf32>
      %dot_general3A_45 = arith.constant dense<0.000000e+00> : vector<256x512xf32>
      %dot_general3A_46 = tpu.matmul %get3A_11, %get3A_44, %dot_general3A_45 {dimension_numbers = #tpu.dot_dimension_numbers<[1], [0], [0], [1], [0, 0, 1, 1], [], []>, transpose_lhs_hint = false} : vector<256x1024xf32>, vector<1024x512xf32>, vector<256x512xf32> -> vector<256x512xf32>
      %logistic3A = arith.negf %dot_general3A_39 : vector<256x512xf32>
      %logistic3A_47 = math.exp %logistic3A : vector<256x512xf32>
      %logistic3A_48 = arith.constant 1.000000e+00 : f32
      %logistic3A_49 = vector.broadcast %logistic3A_48 : f32 to vector<256x512xf32>
      %logistic3A_50 = arith.addf %logistic3A_49, %logistic3A_47 : vector<256x512xf32>
      %logistic3A_51 = arith.divf %logistic3A_49, %logistic3A_50 : vector<256x512xf32>
      %mul3A = arith.mulf %dot_general3A_39, %logistic3A_51 : vector<256x512xf32>
      %mul3A_52 = arith.mulf %mul3A, %dot_general3A_46 : vector<256x512xf32>
      %get3A_53 = arith.constant 0 : index
      %get3A_54 = arith.constant 0 : index
      %get3A_55 = arith.constant 0 : index
      %get3A_56 = vector.load %arg6[%get3A_53, %get3A_54, %get3A_55] : memref<1x512x1024xf32, #tpu.memory_space<vmem>>, vector<1x512x1024xf32>
      %get3A_57 = vector.shape_cast %get3A_56 : vector<1x512x1024xf32> to vector<512x1024xf32>
      %dot_general3A_58 = arith.constant dense<0.000000e+00> : vector<256x1024xf32>
      %dot_general3A_59 = tpu.matmul %mul3A_52, %get3A_57, %dot_general3A_58 {dimension_numbers = #tpu.dot_dimension_numbers<[1], [0], [0], [1], [0, 0, 1, 1], [], []>, transpose_lhs_hint = false} : vector<256x512xf32>, vector<512x1024xf32>, vector<256x1024xf32> -> vector<256x1024xf32>
      %get3A_60 = arith.index_cast %arg0 : i32 to index
      %get3A_61 = arith.constant 0 : index
      %get3A_62 = memref.load %arg1[%get3A_60, %get3A_61] : memref<23x4xi32, #tpu.memory_space<smem>>
      %mul3A_63 = arith.constant 256 : i32
      %mul3A_64 = arith.muli %get3A_62, %mul3A_63 : i32
      %iota3A_65 = tpu.iota {dimensions = array<i32: 0>} : vector<256x1xi32>
      %add3A_66 = vector.broadcast %mul3A_64 : i32 to vector<256x1xi32>
      %add3A_67 = arith.addi %add3A_66, %iota3A_65 : vector<256x1xi32>
      %ge3A = vector.broadcast %get3A_4 : i32 to vector<256x1xi32>
      %ge3A_68 = arith.cmpi sge, %add3A_67, %ge3A : vector<256x1xi32>
      %lt3A = vector.broadcast %get3A_7 : i32 to vector<256x1xi32>
      %lt3A_69 = arith.cmpi slt, %add3A_67, %lt3A : vector<256x1xi32>
      %and3A = arith.andi %ge3A_68, %lt3A_69 : vector<256x1xi1>
      %mul3A_70 = vector.broadcast %div3A : vector<256x1xf32> to vector<256x1024xf32>
      %mul3A_71 = arith.mulf %mul3A_70, %dot_general3A_59 : vector<256x1024xf32>
      %get3A_72 = arith.constant 0 : index
      %get3A_73 = arith.constant 0 : index
      %get3A_74 = vector.load %arg7[%get3A_72, %get3A_73] : memref<256x1024xf32, #tpu.memory_space<vmem>>, vector<256x1024xf32>
      %broadcast_in_dim3A_75 = vector.shape_cast %and3A : vector<256x1xi1> to vector<256x1xi1>
      %broadcast_in_dim3A_76 = vector.broadcast %broadcast_in_dim3A_75 : vector<256x1xi1> to vector<256x1024xi1>
      %select_n3A_77 = arith.select %broadcast_in_dim3A_76, %mul3A_71, %get3A_74 : vector<256x1024xi1>, vector<256x1024xf32>
      %swap3A = arith.constant 0 : index
      %swap3A_78 = arith.constant 0 : index
      %swap3A_79 = vector.load %arg7[%swap3A, %swap3A_78] : memref<256x1024xf32, #tpu.memory_space<vmem>>, vector<256x1024xf32>
      tpu.vector_store %arg7[%swap3A, %swap3A_78], %select_n3A_77 {strides = array<i32>} : memref<256x1024xf32, #tpu.memory_space<vmem>>, vector<256x1024xf32>,
    } else {
    }
    return
  }
  func.func @transform_0(%arg0: i32, %arg1: memref<23x4xi32, #tpu.memory_space<smem>>) -> (i32, i32) {
    %get3A = arith.index_cast %arg0 : i32 to index
    %get3A_0 = arith.constant 0 : index
    %get3A_1 = memref.load %arg1[%get3A, %get3A_0] : memref<23x4xi32, #tpu.memory_space<smem>>
    %c0_i32 = arith.constant 0 : i32
    %c0_i32_2 = arith.constant 0 : i32
    return %get3A_1, %c0_i32 : i32, i32
  }
  func.func @transform_1(%arg0: i32, %arg1: memref<23x4xi32, #tpu.memory_space<smem>>) -> (i32, i32) {
    %c0_i32 = arith.constant 0 : i32
    %c0_i32_0 = arith.constant 0 : i32
    %c0_i32_1 = arith.constant 0 : i32
    return %c0_i32, %c0_i32_0 : i32, i32
  }
  func.func @transform_2(%arg0: i32, %arg1: memref<23x4xi32, #tpu.memory_space<smem>>) -> (i32, i32, i32) {
    %get3A = arith.index_cast %arg0 : i32 to index
    %get3A_0 = arith.constant 1 : index
    %get3A_1 = memref.load %arg1[%get3A, %get3A_0] : memref<23x4xi32, #tpu.memory_space<smem>>
    %c0_i32 = arith.constant 0 : i32
    %c0_i32_2 = arith.constant 0 : i32
    %c0_i32_3 = arith.constant 0 : i32
    return %get3A_1, %c0_i32, %c0_i32_2 : i32, i32, i32
  }
  func.func @transform_3(%arg0: i32, %arg1: memref<23x4xi32, #tpu.memory_space<smem>>) -> (i32, i32, i32) {
    %get3A = arith.index_cast %arg0 : i32 to index
    %get3A_0 = arith.constant 1 : index
    %get3A_1 = memref.load %arg1[%get3A, %get3A_0] : memref<23x4xi32, #tpu.memory_space<smem>>
    %c0_i32 = arith.constant 0 : i32
    %c0_i32_2 = arith.constant 0 : i32
    %c0_i32_3 = arith.constant 0 : i32
    return %get3A_1, %c0_i32, %c0_i32_2 : i32, i32, i32
  }
  func.func @transform_4(%arg0: i32, %arg1: memref<23x4xi32, #tpu.memory_space<smem>>) -> (i32, i32, i32) {
    %get3A = arith.index_cast %arg0 : i32 to index
    %get3A_0 = arith.constant 1 : index
    %get3A_1 = memref.load %arg1[%get3A, %get3A_0] : memref<23x4xi32, #tpu.memory_space<smem>>
    %c0_i32 = arith.constant 0 : i32
    %c0_i32_2 = arith.constant 0 : i32
    %c0_i32_3 = arith.constant 0 : i32
    return %get3A_1, %c0_i32, %c0_i32_2 : i32, i32, i32
  }
  func.func @transform_5(%arg0: i32, %arg1: memref<23x4xi32, #tpu.memory_space<smem>>) -> (i32, i32) {
    %get3A = arith.index_cast %arg0 : i32 to index
    %get3A_0 = arith.constant 0 : index
    %get3A_1 = memref.load %arg1[%get3A, %get3A_0] : memref<23x4xi32, #tpu.memory_space<smem>>
    %c0_i32 = arith.constant 0 : i32
    %c0_i32_2 = arith.constant 0 : i32
    return %get3A_1, %c0_i32 : i32, i32
  }
}

module attributes {stable_mosaic.version = 14 : i64} {
  func.func @_shared_body(%arg0: i32, %arg1: memref<256x1024xf32, #tpu.memory_space<vmem>>, %arg2: memref<1024x1024xf32, #tpu.memory_space<vmem>>, %arg3: memref<1024x1024xf32, #tpu.memory_space<vmem>>, %arg4: memref<1024x1024xf32, #tpu.memory_space<vmem>>, %arg5: memref<1024x1xf32, #tpu.memory_space<vmem>>, %arg6: memref<2x256x1024xf32, #tpu.memory_space<vmem>>, %arg7: memref<256x1024xf32, #tpu.memory_space<vmem>>) attributes {dimension_semantics = [#tpu.dimension_semantics<arbitrary>], iteration_bounds = array<i64: 8>, scalar_prefetch = 0 : i64, scratch_operands = 0 : i64, tpu.core_type = #tpu.core_type<tc>, window_params = [{transform_indices = @transform_0, window_bounds = array<i64: 256, 1024>}, {pipeline_mode = #tpu.pipeline_mode<synchronous>, transform_indices = @transform_1, window_bounds = array<i64: 1024, 1024>}, {pipeline_mode = #tpu.pipeline_mode<synchronous>, transform_indices = @transform_2, window_bounds = array<i64: 1024, 1024>}, {pipeline_mode = #tpu.pipeline_mode<synchronous>, transform_indices = @transform_3, window_bounds = array<i64: 1024, 1024>}, {pipeline_mode = #tpu.pipeline_mode<synchronous>, transform_indices = @transform_4, window_bounds = array<i64: 1024, 1>}, {transform_indices = @transform_5, window_bounds = array<i64: 2, 256, 1024>}, {transform_indices = @transform_6, window_bounds = array<i64: 256, 1024>}]} {
    %get3A = arith.constant 0 : index
    %get3A_0 = arith.constant 0 : index
    %get3A_1 = vector.load %arg1[%get3A, %get3A_0] : memref<256x1024xf32, #tpu.memory_space<vmem>>, vector<256x1024xf32>
    %get3A_2 = arith.constant 0 : index
    %get3A_3 = arith.constant 0 : index
    %get3A_4 = vector.load %arg5[%get3A_2, %get3A_3] : memref<1024x1xf32, #tpu.memory_space<vmem>>, vector<1024x1xf32>
    %dot_general3A = arith.constant dense<0.000000e+00> : vector<256x1xf32>
    %dot_general3A_5 = tpu.matmul %get3A_1, %get3A_4, %dot_general3A {dimension_numbers = #tpu.dot_dimension_numbers<[1], [0], [0], [1], [0, 0, 1, 1], [], []>, transpose_lhs_hint = false} : vector<256x1024xf32>, vector<1024x1xf32>, vector<256x1xf32> -> vector<256x1xf32>
    %logistic3A = arith.negf %dot_general3A_5 : vector<256x1xf32>
    %logistic3A_6 = math.exp %logistic3A : vector<256x1xf32>
    %logistic3A_7 = arith.constant 1.000000e+00 : f32
    %logistic3A_8 = vector.broadcast %logistic3A_7 : f32 to vector<256x1xf32>
    %logistic3A_9 = arith.addf %logistic3A_8, %logistic3A_6 : vector<256x1xf32>
    %logistic3A_10 = arith.divf %logistic3A_8, %logistic3A_9 : vector<256x1xf32>
    %get3A_11 = arith.constant 0 : index
    %get3A_12 = arith.constant 0 : index
    %get3A_13 = vector.load %arg2[%get3A_11, %get3A_12] : memref<1024x1024xf32, #tpu.memory_space<vmem>>, vector<1024x1024xf32>
    %dot_general3A_14 = arith.constant dense<0.000000e+00> : vector<256x1024xf32>
    %dot_general3A_15 = tpu.matmul %get3A_1, %get3A_13, %dot_general3A_14 {dimension_numbers = #tpu.dot_dimension_numbers<[1], [0], [0], [1], [0, 0, 1, 1], [], []>, transpose_lhs_hint = false} : vector<256x1024xf32>, vector<1024x1024xf32>, vector<256x1024xf32> -> vector<256x1024xf32>
    %get3A_16 = arith.constant 0 : index
    %get3A_17 = arith.constant 0 : index
    %get3A_18 = vector.load %arg3[%get3A_16, %get3A_17] : memref<1024x1024xf32, #tpu.memory_space<vmem>>, vector<1024x1024xf32>
    %dot_general3A_19 = arith.constant dense<0.000000e+00> : vector<256x1024xf32>
    %dot_general3A_20 = tpu.matmul %get3A_1, %get3A_18, %dot_general3A_19 {dimension_numbers = #tpu.dot_dimension_numbers<[1], [0], [0], [1], [0, 0, 1, 1], [], []>, transpose_lhs_hint = false} : vector<256x1024xf32>, vector<1024x1024xf32>, vector<256x1024xf32> -> vector<256x1024xf32>
    %logistic3A_21 = arith.negf %dot_general3A_15 : vector<256x1024xf32>
    %logistic3A_22 = math.exp %logistic3A_21 : vector<256x1024xf32>
    %logistic3A_23 = arith.constant 1.000000e+00 : f32
    %logistic3A_24 = vector.broadcast %logistic3A_23 : f32 to vector<256x1024xf32>
    %logistic3A_25 = arith.addf %logistic3A_24, %logistic3A_22 : vector<256x1024xf32>
    %logistic3A_26 = arith.divf %logistic3A_24, %logistic3A_25 : vector<256x1024xf32>
    %mul3A = arith.mulf %dot_general3A_15, %logistic3A_26 : vector<256x1024xf32>
    %mul3A_27 = arith.mulf %mul3A, %dot_general3A_20 : vector<256x1024xf32>
    %get3A_28 = arith.constant 0 : index
    %get3A_29 = arith.constant 0 : index
    %get3A_30 = vector.load %arg4[%get3A_28, %get3A_29] : memref<1024x1024xf32, #tpu.memory_space<vmem>>, vector<1024x1024xf32>
    %dot_general3A_31 = arith.constant dense<0.000000e+00> : vector<256x1024xf32>
    %dot_general3A_32 = tpu.matmul %mul3A_27, %get3A_30, %dot_general3A_31 {dimension_numbers = #tpu.dot_dimension_numbers<[1], [0], [0], [1], [0, 0, 1, 1], [], []>, transpose_lhs_hint = false} : vector<256x1024xf32>, vector<1024x1024xf32>, vector<256x1024xf32> -> vector<256x1024xf32>
    %mul3A_33 = vector.broadcast %logistic3A_10 : vector<256x1xf32> to vector<256x1024xf32>
    %mul3A_34 = arith.mulf %mul3A_33, %dot_general3A_32 : vector<256x1024xf32>
    %get3A_35 = arith.constant 0 : index
    %get3A_36 = arith.constant 0 : index
    %get3A_37 = arith.constant 0 : index
    %get3A_38 = vector.load %arg6[%get3A_35, %get3A_36, %get3A_37] : memref<2x256x1024xf32, #tpu.memory_space<vmem>>, vector<1x256x1024xf32>
    %get3A_39 = vector.shape_cast %get3A_38 : vector<1x256x1024xf32> to vector<256x1024xf32>
    %add3A = arith.addf %mul3A_34, %get3A_39 : vector<256x1024xf32>
    %get3A_40 = arith.constant 1 : index
    %get3A_41 = arith.constant 0 : index
    %get3A_42 = arith.constant 0 : index
    %get3A_43 = vector.load %arg6[%get3A_40, %get3A_41, %get3A_42] : memref<2x256x1024xf32, #tpu.memory_space<vmem>>, vector<1x256x1024xf32>
    %get3A_44 = vector.shape_cast %get3A_43 : vector<1x256x1024xf32> to vector<256x1024xf32>
    %add3A_45 = arith.addf %add3A, %get3A_44 : vector<256x1024xf32>
    %swap3A = arith.constant 0 : index
    %swap3A_46 = arith.constant 0 : index
    %swap3A_47 = vector.load %arg7[%swap3A, %swap3A_46] : memref<256x1024xf32, #tpu.memory_space<vmem>>, vector<256x1024xf32>
    tpu.vector_store %arg7[%swap3A, %swap3A_46], %add3A_45 {strides = array<i32>} : memref<256x1024xf32, #tpu.memory_space<vmem>>, vector<256x1024xf32>,
    return
  }
  func.func @transform_0(%arg0: i32) -> (i32, i32) {
    %c0_i32 = arith.constant 0 : i32
    %c0_i32_0 = arith.constant 0 : i32
    return %arg0, %c0_i32 : i32, i32
  }
  func.func @transform_1(%arg0: i32) -> (i32, i32) {
    %c0_i32 = arith.constant 0 : i32
    %c0_i32_0 = arith.constant 0 : i32
    %c0_i32_1 = arith.constant 0 : i32
    return %c0_i32, %c0_i32_0 : i32, i32
  }
  func.func @transform_2(%arg0: i32) -> (i32, i32) {
    %c0_i32 = arith.constant 0 : i32
    %c0_i32_0 = arith.constant 0 : i32
    %c0_i32_1 = arith.constant 0 : i32
    return %c0_i32, %c0_i32_0 : i32, i32
  }
  func.func @transform_3(%arg0: i32) -> (i32, i32) {
    %c0_i32 = arith.constant 0 : i32
    %c0_i32_0 = arith.constant 0 : i32
    %c0_i32_1 = arith.constant 0 : i32
    return %c0_i32, %c0_i32_0 : i32, i32
  }
  func.func @transform_4(%arg0: i32) -> (i32, i32) {
    %c0_i32 = arith.constant 0 : i32
    %c0_i32_0 = arith.constant 0 : i32
    %c0_i32_1 = arith.constant 0 : i32
    return %c0_i32, %c0_i32_0 : i32, i32
  }
  func.func @transform_5(%arg0: i32) -> (i32, i32, i32) {
    %c0_i32 = arith.constant 0 : i32
    %c0_i32_0 = arith.constant 0 : i32
    %c0_i32_1 = arith.constant 0 : i32
    return %c0_i32, %arg0, %c0_i32_0 : i32, i32, i32
  }
  func.func @transform_6(%arg0: i32) -> (i32, i32) {
    %c0_i32 = arith.constant 0 : i32
    %c0_i32_0 = arith.constant 0 : i32
    return %arg0, %c0_i32 : i32, i32
  }
}

</mosaic_0001>

<sc_bundles>
// kernel: kernel.10.cloned.1.call-start
scs
__scs_entry_jumppad:
0x0: {  	(pc) =	sbr.rel $0x88, $3  }
0x1: {  	(tag) =	ssettag $0x0;
	lr =	simm.s32 $0x1  }
0x2: {  	[smem:$0x3F98] =	sst lr;
	_ =	strace $0xD0000000  }
0x3: {  	_ = 	snop  }
0x4: {  	_ = 	snop  }
0x5: {  	_ = 	snop  }
0x6: {  	_ = 	snop  }
0x7: {  	_ = 	snop  }
__scs_overlays_trampoline_lowered:
0x8: {  	[smem:$0x3FA7] =	sst s0  }
0x9: {  	[smem:$0x3FA8] =	sst s1  }
0xa: {  	[smem:$0x3FA9] =	sst s2  }
0xb: {  	[smem:$0x3FAA] =	sst s3  }
0xc: {  	[smem:$0x3FAB] =	sst s4  }
0xd: {  	[smem:$0x3FAC] =	sst s5  }
0xe: {  	[smem:$0x3FAD] =	sst s6  }
0xf: {  	[smem:$0x3FAE] =	sst s7  }
0x10: {  	[smem:$0x3FAF] =	sst s8  }
0x11: {  	[smem:$0x3FB0] =	sst s9;
	s0 =	simm.s32 @!p0 $0x0  }
0x12: {  	s1 =	sld [smem:$0x3F96];
	s0 =	simm.s32 @p0 $0x1  }
0x13: {  	[smem:$0x3FB1] =	sst s0;
	s0 =	simm.s32 @!p1 $0x0  }
0x14: {  	s2 =	sld [smem:$0x3F95];
	s0 =	simm.s32 @p1 $0x1  }
0x15: {  	[smem:$0x3FB2] =	sst s0;
	s0 =	simm.s32 @!p2 $0x0  }
0x16: {  	s3 =	sld [smem:$0x3FDB];
	s0 =	simm.s32 @p2 $0x1  }
0x17: {  	s4 =	simm.s32 $0x1BF5;
	[smem:$0x3FB4] =	sst s0  }
0x18: {  	s0 =	sld [smem:$0x3F97];
	_ =	swait.ge [sflag:s4], $0x0  }
0x19: {  	s7 =	sld [smem:$0x3F98]  }
0x1a: {  	s8 =	sadd.s32 $0xFFFFE003, lr  }
0x1b: {  	s9 =	sadd.s32 $0xFFFFFEF7, lr;
	s5 =	simm.s32 $0xFFFFFFFF;
	p2 =	slt.u32 s8, $0xFFFFF086  }
0x1c: {  	p1 =	slt.u32 s9, $0xF7A;
	s5 =	simm.s32 @!p2 $0x0  }
0x1d: {  	s5 =	simm.s32 @p1 $0x1;
	p0 =	seq.s32 s7, s2  }
0x1e: {  	s7 =	smul.u32 @!p0 $0xF7A, s2;
	p2 =	seq.s32 @!p0 s5, $0x0  }
0x1f: {  	s9 =	smul.u32 $0xF7A, s1;
	s8 =	simm.s32 @!p0 $0x1BF5;
	p2 =	por !p2, p0  }
0x20: {  	[sflag:s8] =	ssyncset.s32 @!p0 $0xFFFFF086;
	s6 =	sadd.s32 @!p0 s3, s7;
	s7 =	simm.s32 @!p0 $0x108  }
0x21: {  	s3 =	sadd.s32 s3, s9;
	s6 =	sadd.s32 @!p0 $0x88, s6;
	s7 =	simm.s32 @p2 $0x1082  }
0x22: {  	[simem:s7], [sflag:s8] =	dma.local @!p0 [hbm:s6], $0xF7A  }
0x23: {  	s9 =	sor.u32 $0xD0000000, s2;
	s6 =	simm.s32 $0x108;
	_ =	swait.ge @!p0 [sflag:s8], $0x0  }
0x24: {  	s3 =	sadd.s32 $0x88, s3;
	s6 =	simm.s32 @!p1 $0x1082;
	[sflag:s4] =	ssyncset.s32 $0xFFFFF086  }
0x25: {  	[simem:s6], [sflag:s4] =	dma.local [hbm:s3], $0xF7A  }
0x26: {  	[smem:$0x3F98] =	sst s1;
	(tag) =	ssettag s2;
	_ =	strace s9  }
0x27: {  	s1 =	sld [smem:$0x3FA8]  }
0x28: {  	s2 =	sld [smem:$0x3FA9]  }
0x29: {  	s4 =	sld [smem:$0x3FAB]  }
0x2a: {  	p0 =	seq.s32 s5, $0x0;
	s5 =	sld [smem:$0x3FAC]  }
0x2b: {  	s6 =	sld [smem:$0x3FAD]  }
0x2c: {  	s7 =	sld [smem:$0x3FAE]  }
0x2d: {  	s3 =	simm.s32 $0x108;
	s8 =	sld [smem:$0x3FAF]  }
0x2e: {  	s3 =	simm.s32 @!p0 $0x1082;
	s9 =	sld [smem:$0x3FB0]  }
0x2f: {  	lr =	sadd.s32 s0, s3;
	s0 =	sld [smem:$0x3FA7]  }
0x30: {  	s3 =	sld [smem:$0x3FAA]  }
0x31: {  	[smem:$0x3FB3] =	sst s10  }
0x32: {  	s10 =	sld [smem:$0x3FB1];
	_ =	sdelay $0x3  }
0x33: {  	p0 =	seq.s32 s10, $0x1;
	s10 =	sld [smem:$0x3FB3];
	_ =	sdelay $0x3  }
0x34: {  	[smem:$0x3FB3] =	sst s10  }
0x35: {  	s10 =	sld [smem:$0x3FB2];
	_ =	sdelay $0x3  }
0x36: {  	p1 =	seq.s32 s10, $0x1;
	s10 =	sld [smem:$0x3FB3];
	_ =	sdelay $0x3  }
0x37: {  	[smem:$0x3FB3] =	sst s10  }
0x38: {  	s10 =	sld [smem:$0x3FB4]  }
0x39: {  	_ = 	snop;
	(pc) =	sbr.ind lr, $3  }
0x3a: {  	_ = 	snop  }
0x3b: {  	_ = 	snop  }
0x3c: {  	p2 =	seq.s32 s10, $0x1;
	s10 =	sld [smem:$0x3FB3]  }
0x3d: {  	_ =	shalt  }
0x3e: {  	_ =	shalt  }
0x3f: {  	_ =	shalt  }
0x40: {  	_ =	shalt  }
0x41: {  	_ =	shalt  }
0x42: {  	_ =	shalt  }
0x43: {  	_ =	shalt  }
0x44: {  	_ =	shalt  }
0x45: {  	_ =	shalt  }
0x46: {  	_ =	shalt  }
0x47: {  	_ =	shalt  }
0x48: {  	_ =	shalt  }
0x49: {  	_ =	shalt  }
0x4a: {  	_ =	shalt  }
0x4b: {  	_ =	shalt  }
0x4c: {  	_ =	shalt  }
0x4d: {  	_ =	shalt  }
0x4e: {  	_ =	shalt  }
0x4f: {  	_ =	shalt  }
0x50: {  	_ =	shalt  }
0x51: {  	_ =	shalt  }
0x52: {  	_ =	shalt  }
0x53: {  	_ =	shalt  }
0x54: {  	_ =	shalt  }
0x55: {  	_ =	shalt  }
0x56: {  	_ =	shalt  }
0x57: {  	_ =	shalt  }
0x58: {  	_ =	shalt  }
0x59: {  	_ =	shalt  }
0x5a: {  	_ =	shalt  }
0x5b: {  	_ =	shalt  }
0x5c: {  	_ =	shalt  }
0x5d: {  	_ =	shalt  }
0x5e: {  	_ =	shalt  }
0x5f: {  	_ =	shalt  }
0x60: {  	_ =	shalt  }
0x61: {  	_ =	shalt  }
0x62: {  	_ =	shalt  }
0x63: {  	_ =	shalt  }
0x64: {  	_ =	shalt  }
0x65: {  	_ =	shalt  }
0x66: {  	_ =	shalt  }
0x67: {  	_ =	shalt  }
0x68: {  	_ =	shalt  }
0x69: {  	_ =	shalt  }
0x6a: {  	_ =	shalt  }
0x6b: {  	_ =	shalt  }
0x6c: {  	_ =	shalt  }
0x6d: {  	_ =	shalt  }
0x6e: {  	_ =	shalt  }
0x6f: {  	_ =	shalt  }
0x70: {  	_ =	shalt  }
0x71: {  	_ =	shalt  }
0x72: {  	_ =	shalt  }
0x73: {  	_ =	shalt  }
0x74: {  	_ =	shalt  }
0x75: {  	_ =	shalt  }
0x76: {  	_ =	shalt  }
0x77: {  	_ =	shalt  }
0x78: {  	_ =	shalt  }
0x79: {  	_ =	shalt  }
0x7a: {  	_ =	shalt  }
0x7b: {  	_ =	shalt  }
0x7c: {  	_ =	shalt  }
0x7d: {  	_ =	shalt  }
0x7e: {  	_ =	shalt  }
0x7f: {  	_ =	shalt  }
0x80: {  	_ =	shalt  }
0x81: {  	_ =	shalt  }
0x82: {  	_ =	shalt  }
0x83: {  	_ =	shalt  }
0x84: {  	_ =	shalt  }
0x85: {  	_ =	shalt  }
0x86: {  	_ =	shalt  }
0x87: {  	_ =	shalt  }
.Lfunc_end0:
.L_simem_size_0:
called_computation.1_lowered:
.L_overlay_start_0:
0x88: {  	s2 =	sld [smem:$0x3FD9]  }
0x89: {  	s3 =	sld [smem:$0x3FFE];
	_ =	sdelay $0x1  }
0x8a: {  	s1 =	srdreg.scid  }
0x8b: {  	s0 =	sand.u32 $0x1, s1  }
0x8c: {  	s14 =	sshll.u32 s0, $0xA;
	s2 =	sadd.s32 s3, s2  }
0x8d: {  	s2 =	sadd.s32 s2, s14  }
0x8e: {  	[smem:$0x3FBF] =	sst s2  }
0x8f: {  	_ = 	snop  }
0x90: {  	s2 =	sld [smem:$0x3FD0];
	_ =	sdelay $0x2  }
0x91: {  	s15 =	simm.s32 $0xA;
	s4 =	simm.s32 $0x10  }
0x92: {  	[smem:s4], [sflag:s15] =	dma.local [hbm:s2], $0x1  }
0x93: {  	_ =	swait.eq [sflag:s15], $0x1  }
0x94: {  	[sflag:s15] =	ssyncset.done $0x0  }
0x95: {  	[sflag:s15] =	ssyncadd.s32 $0xFFFFFFFF  }
0x96: {  	s16 =	sld [smem:$0x10];
	(tm) =	ssettm $0x1  }
0x97: {  	s17 =	sld [smem:$0x3FFB];
	_ =	sdelay $0x3  }
0x98: {  	_ =	strace s17  }
0x99: {  	s3 =	sld [smem:$0x3FFC];
	_ =	sdelay $0x3  }
0x9a: {  	_ =	strace s3  }
0x9b: {  	s3 =	sld [smem:$0x3FFD];
	_ =	sdelay $0x3  }
0x9c: {  	_ =	strace s3  }
0x9d: {  	_ =	strace $0x8FFFFFFF  }
0x9e: {  	s18 =	sld [smem:$0x3FDB];
	_ =	sdelay $0x1  }
0x9f: {  	s19 =	simm.s32 $_scs_section_size  }
0xa0: {  	s5 =	simm.s32 $_size__tile_overlayer_lowered;
	s6 =	simm.s32 $_tile_overlayer_lowered  }
0xa1: {  	s22 =	simm.s32 $0x1BFF;
	s21 =	sshll.u32 s6, $0x1;
	s3 =	sadd.s32 s19, s18  }
0xa2: {  	s7 =	simm.s32 $0x0;
	s20 =	sshll.u32 s5, $0x1;
	s5 =	sadd.s32 s21, s3  }
0xa3: {  	[timem:s7], [sflag:s22] =	dma.local [hbm:s5], s20  }
0xa4: {  	_ =	swait.ge [sflag:s22], s20  }
0xa5: {  	s4 =	ssub.s32 $0x0, s20;
	[sflag:s22] =	ssyncset.done $0x0  }
0xa6: {  	[sflag:s22] =	ssyncadd.s32 s4;
	_ =	sdelay $0x1  }
0xa7: {  	s23 =	simm.s32 $0x1B8B  }
0xa8: {  	_ =	swait.ge [sflag:s23], $0x1  }
0xa9: {  	[sflag:s23] =	ssyncset.done $0x0  }
0xaa: {  	s25 =	simm.s32 $0x1B8E;
	s24 =	sld [smem:$0x3FFE];
	[sflag:s23] =	ssyncadd.s32 $0xFFFFFFFF  }
0xab: {  	s26 =	simm.s32 $execute0_lowered;
	[smem:$0x3FD2] =	sst s25  }
0xac: {  	s5 =	sshll.u32 s26, $0x1;
	_ =	strace $0x80000049;
	[dreg:$0x1] =	wrdreg $0xFFFFFFFF  }
0xad: {  	s28 =	simm.s32 $_size_execute0_lowered;
	s3 =	sadd.s32 s3, s5;
	[dreg:$0x0] =	wrdreg $0x0  }
0xae: {  	s5 =	sshll.u32 s28, $0x1;
	[dreg:$0x2] =	wrdreg s3  }
0xaf: {  	[dreg:$0x3] =	wrdreg s5  }
0xb0: {  	[dreg:$0x4] =	wrdreg $0xC0  }
0xb1: {  	_ =	task [dreg:s7], $0x5FFFF  }
0xb2: {  	[dreg:$0x1] =	wrdreg $0xFFFFFFFF  }
0xb3: {  	[dreg:$0x0] =	wrdreg $0x60  }
0xb4: {  	[dreg:$0x2] =	wrdreg s24  }
0xb5: {  	[dreg:$0x3] =	wrdreg s16  }
0xb6: {  	[dreg:$0x4] =	wrdreg $0x9  }
0xb7: {  	_ =	task.clear_ibuf [dreg:s7], $0x5FFFF;
	_ =	strace $0x90000049  }
0xb8: {  	s29 =	simm.s32 $0x9;
	_ =	strace $0x8000004B  }
0xb9: {  	_ =	swait.ge [sflag:s29], $0x1  }
0xba: {  	[sflag:s29] =	ssyncadd.s32 $0xFFFFFFFF  }
0xbb: {  	_ =	strace $0x9000004B  }
0xbc: {  	_ =	sfence  }
0xbd: {  	s30 =	sld [smem:$0x0];
	_ =	sdelay $0x2  }
0xbe: {  	s31 =	sshll.u32 s1, $0xD;
	s1 =	sshrl.u32 s1, $0x2  }
0xbf: {  	s3 =	sand.u32 $0x4000, s31;
	s1 =	sadd.s32 s1, s30  }
0xc0: {  	s0 =	sor.u32 s3, s0;
	s1 =	sshll.u32 s1, $0x11  }
0xc1: {  	s0 =	sor.u32 s1, s0  }
0xc2: {  	s0 =	sadd.s32 $0x8F2B, s0  }
0xc3: {  	[sflag:s0] =	ssyncadd.remote.s32 $0x1  }
0xc4: {  	_ =	sfence.sel $0xFFFF  }
0xc5: {  	[dreg:$0x0] =	wrdreg $0xFFFFFFFF;
	(pc) =	sbr.abs _section_cstart, $3  }
0xc6: {  	[dreg:$0x1] =	wrdreg $0xFFFFFFFF  }
0xc7: {  	_ =	task.clear_ibuf [dreg:s7], $0x2FFFF;
	_ =	strace $0x9FFFFFFF  }
0xc8: {  	(tm) =	ssettm $0x7FFFFFFF  }
0xc9: {  	_ =	shalt  }
tec
execute0_lowered:
.L_overlay_start_1:
0x0: {  	(tag) =	ssettag $0x1  }
0x1: {  	s0 =	srdreg.scid  }
0x2: {  	s2 =	stileid.u32;
	s1 =	rddreg [dreg:$0x0]  }
0x3: {  	s4 =	rddreg [dreg:$0x1];
	s26 =	simm.s32 $0x80;
	s8 =	simm.s32 $0x5  }
0x4: {  	s28 =	simm.s32 $0x1900;
	s29 =	simm.s32 $0x2100;
	s30 =	simm.s32 $0x2900  }
0x5: {  	s31 =	simm.s32 $0x3100;
	s14 =	simm.s32 $0x6900;
	s0 =	sand.u32 $0x1, s0  }
0x6: {  	s15 =	simm.s32 $0x7100;
	s2 =	sshll.u32 s2, $0x7;
	s3 =	sshll.u32 s0, $0x6  }
0x7: {  	s16 =	simm.s32 $0x7900;
	s10 =	simm.s32 $0x8100;
	s3 =	sor.u32 s3, s2  }
0x8: {  	s0 =	ssub.s32 $0x2, s0;
	s2 =	simm.s32 $0x0;
	s5 =	sshrl.u32 s3, $0x3  }
0x9: {  	[smem:$0x7FF] =	sst s2;
	s3 =	sshll.u32 s3, $0x7;
	s6 =	sadd.s32 s5, s1  }
0xa: {  	_ =	strace $0x8000004A;
	s17 =	sadd.s32 s4, s5;
	[dreg:$0xd] =	wrdreg s26  }
0xb: {  	s7 =	sadd.s32 s3, s1;
	s6 =	sadd.s32 $0x1600, s6;
	[dreg:$0x4] =	wrdreg s17  }
0xc: {  	s22 =	sshrl.u32 s0, $0x1;
	s18 =	sadd.s32 $0x81800, s7;
	[dreg:$0x3] =	wrdreg s6  }
0xd: {  	s0 =	ssub.s32 s0, s22;
	s19 =	sadd.s32 $0xC1800, s7;
	[dreg:$0x5] =	wrdreg s18  }
0xe: {  	s22 =	simm.s32 $0xB100;
	s20 =	sadd.s32 $0x82000, s7;
	[dreg:$0x6] =	wrdreg s19  }
0xf: {  	s3 =	sadd.s32 $0x1800, s1;
	s21 =	sadd.s32 $0xC2000, s7;
	[dreg:$0x7] =	wrdreg s20  }
0x10: {  	s4 =	sadd.s32 $0x1900, s1;
	s23 =	sadd.s32 $0x82800, s7;
	[dreg:$0x8] =	wrdreg s21  }
0x11: {  	s5 =	sadd.s32 $0x1A00, s1;
	s24 =	sadd.s32 $0xC2800, s7;
	[dreg:$0x9] =	wrdreg s23  }
0x12: {  	s26 =	simm.s32 $0x1100;
	s25 =	sadd.s32 $0x83000, s7;
	[dreg:$0xa] =	wrdreg s24  }
0x13: {  	s7 =	sadd.s32 $0xC3000, s7;
	s17 =	simm.s32 $0x4900;
	[dreg:$0xb] =	wrdreg s25  }
0x14: {  	v2 =	vlaneseq.u32;
	s6 =	sadd.s32 $0x1B00, s1;
	[dreg:$0xc] =	wrdreg s7;
	s7 =	smax.u32 s0, $0x1  }
0x15: {  	vm0 =	vmmov $0xffff;
	v1 =	vshrl.u32 v2, $0x3;
	s18 =	simm.s32 $0x100;
	s25 =	simm.s32 $0x4100;
	s19 =	simm.s32 $0x9900  }
0x16: {  	v0 =	vand.u32 $0x7, v2;
	v2 =	vor.u32 $0x8, v2;
	v1 =	vmul.u32 $0x8, v1;
	s20 =	simm.s32 $0xA100;
	s21 =	simm.s32 $0xA900;
	s1 =	simm.s32 $0xC100  }
.LBB2_1:
0x17: {  	s23 =	rddreg [dreg:$0x3]  }
0x18: {  	[tilespmem:s2], [sflag:$0x5] =	stream.linear.gather [hbm4b:s23+s2], $0x40, $0x38;
	[tilespmem:$0x10100] =	vst v63  }
0x19: {  	_ =	swait.ge [sflag:s8], $0x40  }
0x1a: {  	s13 =	rddreg [dreg:$0x4];
	[sflag:s8] =	ssyncset.done $0x0  }
0x1b: {  	s24 =	rddreg [dreg:$0xd];
	[sflag:s8] =	ssyncadd.s32 $0xFFFFFFC0  }
0x1c: {  	[tilespmem:s24], [sflag:$0x5] =	stream.linear.gather [hbm4b:s13+s2], $0x40, $0x38;
	[tilespmem:$0x10100] =	vst v63  }
0x1d: {  	_ =	swait.ge [sflag:s8], $0x40  }
0x1e: {  	[sflag:s8] =	ssyncset.done $0x0  }
0x1f: {  	[sflag:s8] =	ssyncadd.s32 $0xFFFFFFC0  }
0x20: {  	v3 =	vld [tilespmem:$0x0];
	_ =	sdelay $0x4  }
0x21: {  	v4 =	vshll.u32 v3, $0x3  }
0x22: {  	v3 =	vand.u32 $0x7, v3;
	v4 =	vand.u32 $0xFFFFFFC0, v4  }
0x23: {  	v3 =	vor.u32 v3, v4  }
0x24: {  	v4 =	vperm.xlane v3, v0;
	_ =	sdelay $0x1  }
0x25: {  	v4 =	vadd.s32 v1, v4;
	_ =	sdelay $0x4  }
0x26: {  	[tilespmem:s18], [sflag:$0x1] =	stream.indirect_vreg.gather [hbm4b:s3+s2], $0x80, v4, vm0, $0xb8;
	[tilespmem:$0x10100] =	vst v63  }
0x27: {  	s24 =	simm.s32 $0x900;
	v3 =	vperm.xlane v3, v2  }
0x28: {  	[tilespmem:s24], [sflag:$0x1] =	stream.indirect_vreg.gather [hbm4b:s4+s2], $0x80, v4, vm0, $0xb8;
	[tilespmem:$0x10100] =	vst v63  }
0x29: {  	v3 =	vadd.s32 v1, v3  }
0x2a: {  	[tilespmem:s26], [sflag:$0x1] =	stream.indirect_vreg.gather [hbm4b:s5+s2], $0x80, v4, vm0, $0xb8;
	[tilespmem:$0x10100] =	vst v63  }
0x2b: {  	_ = 	snop  }
0x2c: {  	[tilespmem:s28], [sflag:$0x1] =	stream.indirect_vreg.gather [hbm4b:s6+s2], $0x80, v4, vm0, $0xb8;
	[tilespmem:$0x10100] =	vst v63  }
0x2d: {  	_ = 	snop  }
0x2e: {  	[tilespmem:s29], [sflag:$0x1] =	stream.indirect_vreg.gather [hbm4b:s3+s2], $0x80, v3, vm0, $0xb8;
	[tilespmem:$0x10100] =	vst v63  }
0x2f: {  	_ = 	snop  }
0x30: {  	[tilespmem:s30], [sflag:$0x1] =	stream.indirect_vreg.gather [hbm4b:s4+s2], $0x80, v3, vm0, $0xb8;
	[tilespmem:$0x10100] =	vst v63  }
0x31: {  	_ = 	snop  }
0x32: {  	[tilespmem:s31], [sflag:$0x1] =	stream.indirect_vreg.gather [hbm4b:s5+s2], $0x80, v3, vm0, $0xb8;
	[tilespmem:$0x10100] =	vst v63  }
0x33: {  	s9 =	simm.s32 $0x3900  }
0x34: {  	[tilespmem:s9], [sflag:$0x1] =	stream.indirect_vreg.gather [hbm4b:s6+s2], $0x80, v3, vm0, $0xb8;
	[tilespmem:$0x10100] =	vst v63  }
0x35: {  	v3 =	vld [tilespmem:$0x80];
	_ =	sdelay $0x4  }
0x36: {  	v57 =	vshll.u32 v3, $0x3  }
0x37: {  	v3 =	vand.u32 $0x7, v3;
	v4 =	vand.u32 $0xFFFFFFC0, v57  }
0x38: {  	v3 =	vor.u32 v3, v4  }
0x39: {  	v4 =	vperm.xlane v3, v0;
	_ =	sdelay $0x1  }
0x3a: {  	v4 =	vadd.s32 v1, v4;
	_ =	sdelay $0x4  }
0x3b: {  	[tilespmem:s25], [sflag:$0x2] =	stream.indirect_vreg.gather [hbm4b:s3+s2], $0x80, v4, vm0, $0xb8;
	[tilespmem:$0x10100] =	vst v63  }
0x3c: {  	v3 =	vperm.xlane v3, v2  }
0x3d: {  	[tilespmem:s17], [sflag:$0x2] =	stream.indirect_vreg.gather [hbm4b:s4+s2], $0x80, v4, vm0, $0xb8;
	[tilespmem:$0x10100] =	vst v63  }
0x3e: {  	s11 =	simm.s32 $0x5100;
	v3 =	vadd.s32 v1, v3  }
0x3f: {  	[tilespmem:s11], [sflag:$0x2] =	stream.indirect_vreg.gather [hbm4b:s5+s2], $0x80, v4, vm0, $0xb8;
	[tilespmem:$0x10100] =	vst v63  }
0x40: {  	s12 =	simm.s32 $0x5900  }
0x41: {  	[tilespmem:s12], [sflag:$0x2] =	stream.indirect_vreg.gather [hbm4b:s6+s2], $0x80, v4, vm0, $0xb8;
	[tilespmem:$0x10100] =	vst v63  }
0x42: {  	s13 =	simm.s32 $0x6100  }
0x43: {  	[tilespmem:s13], [sflag:$0x2] =	stream.indirect_vreg.gather [hbm4b:s3+s2], $0x80, v3, vm0, $0xb8;
	[tilespmem:$0x10100] =	vst v63  }
0x44: {  	_ = 	snop  }
0x45: {  	[tilespmem:s14], [sflag:$0x2] =	stream.indirect_vreg.gather [hbm4b:s4+s2], $0x80, v3, vm0, $0xb8;
	[tilespmem:$0x10100] =	vst v63  }
0x46: {  	_ = 	snop  }
0x47: {  	[tilespmem:s15], [sflag:$0x2] =	stream.indirect_vreg.gather [hbm4b:s5+s2], $0x80, v3, vm0, $0xb8;
	[tilespmem:$0x10100] =	vst v63  }
0x48: {  	_ = 	snop  }
0x49: {  	[tilespmem:s16], [sflag:$0x2] =	stream.indirect_vreg.gather [hbm4b:s6+s2], $0x80, v3, vm0, $0xb8;
	[tilespmem:$0x10100] =	vst v63  }
0x4a: {  	v3 =	vld [tilespmem:$0x10];
	_ =	sdelay $0x4  }
0x4b: {  	v58 =	vshll.u32 v3, $0x3  }
0x4c: {  	v3 =	vand.u32 $0x7, v3;
	v4 =	vand.u32 $0xFFFFFFC0, v58  }
0x4d: {  	v3 =	vor.u32 v3, v4  }
0x4e: {  	v4 =	vperm.xlane v3, v0;
	_ =	sdelay $0x1  }
0x4f: {  	v4 =	vadd.s32 v1, v4;
	_ =	sdelay $0x4  }
0x50: {  	[tilespmem:s10], [sflag:$0x3] =	stream.indirect_vreg.gather [hbm4b:s3+s2], $0x80, v4, vm0, $0xb8;
	[tilespmem:$0x10100] =	vst v63  }
0x51: {  	s0 =	simm.s32 $0x8900;
	v3 =	vperm.xlane v3, v2  }
0x52: {  	[tilespmem:s0], [sflag:$0x3] =	stream.indirect_vreg.gather [hbm4b:s4+s2], $0x80, v4, vm0, $0xb8;
	[tilespmem:$0x10100] =	vst v63  }
0x53: {  	s23 =	simm.s32 $0x9100;
	v3 =	vadd.s32 v1, v3  }
0x54: {  	[tilespmem:s23], [sflag:$0x3] =	stream.indirect_vreg.gather [hbm4b:s5+s2], $0x80, v4, vm0, $0xb8;
	[tilespmem:$0x10100] =	vst v63  }
0x55: {  	_ = 	snop  }
0x56: {  	[tilespmem:s19], [sflag:$0x3] =	stream.indirect_vreg.gather [hbm4b:s6+s2], $0x80, v4, vm0, $0xb8;
	[tilespmem:$0x10100] =	vst v63  }
0x57: {  	_ = 	snop  }
0x58: {  	[tilespmem:s20], [sflag:$0x3] =	stream.indirect_vreg.gather [hbm4b:s3+s2], $0x80, v3, vm0, $0xb8;
	[tilespmem:$0x10100] =	vst v63  }
0x59: {  	_ = 	snop  }
0x5a: {  	[tilespmem:s21], [sflag:$0x3] =	stream.indirect_vreg.gather [hbm4b:s4+s2], $0x80, v3, vm0, $0xb8;
	[tilespmem:$0x10100] =	vst v63  }
0x5b: {  	_ = 	snop  }
0x5c: {  	[tilespmem:s22], [sflag:$0x3] =	stream.indirect_vreg.gather [hbm4b:s5+s2], $0x80, v3, vm0, $0xb8;
	[tilespmem:$0x10100] =	vst v63  }
0x5d: {  	s23 =	simm.s32 $0xB900  }
0x5e: {  	[tilespmem:s23], [sflag:$0x3] =	stream.indirect_vreg.gather [hbm4b:s6+s2], $0x80, v3, vm0, $0xb8;
	[tilespmem:$0x10100] =	vst v63  }
0x5f: {  	v3 =	vld [tilespmem:$0x90];
	_ =	sdelay $0x4  }
0x60: {  	v59 =	vshll.u32 v3, $0x3  }
0x61: {  	v3 =	vand.u32 $0x7, v3;
	v4 =	vand.u32 $0xFFFFFFC0, v59  }
0x62: {  	v3 =	vor.u32 v3, v4  }
0x63: {  	v4 =	vperm.xlane v3, v0;
	_ =	sdelay $0x1  }
0x64: {  	v4 =	vadd.s32 v1, v4;
	_ =	sdelay $0x4  }
0x65: {  	[tilespmem:s1], [sflag:$0x4] =	stream.indirect_vreg.gather [hbm4b:s3+s2], $0x80, v4, vm0, $0xb8;
	[tilespmem:$0x10100] =	vst v63  }
0x66: {  	s23 =	simm.s32 $0xC900;
	v3 =	vperm.xlane v3, v2  }
0x67: {  	[tilespmem:s23], [sflag:$0x4] =	stream.indirect_vreg.gather [hbm4b:s4+s2], $0x80, v4, vm0, $0xb8;
	[tilespmem:$0x10100] =	vst v63  }
0x68: {  	v3 =	vadd.s32 v1, v3;
	s23 =	simm.s32 $0xD100  }
0x69: {  	[tilespmem:s23], [sflag:$0x4] =	stream.indirect_vreg.gather [hbm4b:s5+s2], $0x80, v4, vm0, $0xb8;
	[tilespmem:$0x10100] =	vst v63  }
0x6a: {  	s23 =	simm.s32 $0xD900  }
0x6b: {  	[tilespmem:s23], [sflag:$0x4] =	stream.indirect_vreg.gather [hbm4b:s6+s2], $0x80, v4, vm0, $0xb8;
	[tilespmem:$0x10100] =	vst v63  }
0x6c: {  	s23 =	simm.s32 $0xE100  }
0x6d: {  	[tilespmem:s23], [sflag:$0x4] =	stream.indirect_vreg.gather [hbm4b:s3+s2], $0x80, v3, vm0, $0xb8;
	[tilespmem:$0x10100] =	vst v63  }
0x6e: {  	s23 =	simm.s32 $0xE900  }
0x6f: {  	[tilespmem:s23], [sflag:$0x4] =	stream.indirect_vreg.gather [hbm4b:s4+s2], $0x80, v3, vm0, $0xb8;
	[tilespmem:$0x10100] =	vst v63  }
0x70: {  	s23 =	simm.s32 $0xF100  }
0x71: {  	[tilespmem:s23], [sflag:$0x4] =	stream.indirect_vreg.gather [hbm4b:s5+s2], $0x80, v3, vm0, $0xb8;
	[tilespmem:$0x10100] =	vst v63  }
0x72: {  	s0 =	simm.s32 $0x1;
	s23 =	simm.s32 $0xF900  }
0x73: {  	[tilespmem:s23], [sflag:$0x4] =	stream.indirect_vreg.gather [hbm4b:s6+s2], $0x80, v3, vm0, $0xb8;
	[tilespmem:$0x10100] =	vst v63  }
0x74: {  	_ =	swait.ge [sflag:s0], $0x4000  }
0x75: {  	[sflag:s0] =	ssyncset.done $0x0  }
0x76: {  	s23 =	rddreg [dreg:$0x5];
	[sflag:s0] =	ssyncadd.s32 $0xFFFFC000  }
0x77: {  	[hbm4b:s23+s2] =	stream.linear.scatter [tilespmem:s18], [sflag:$0x5], $0x4000, $0x38;
	[tilespmem:$0x10100] =	vst v63  }
0x78: {  	_ =	swait.ge [sflag:s8], $0x4000  }
0x79: {  	[sflag:s8] =	ssyncset.done $0x0  }
0x7a: {  	[sflag:s8] =	ssyncadd.s32 $0xFFFFC000  }
0x7b: {  	v3 =	vld [tilespmem:$0x20];
	_ =	sdelay $0x4  }
0x7c: {  	v60 =	vshll.u32 v3, $0x3  }
0x7d: {  	v3 =	vand.u32 $0x7, v3;
	v4 =	vand.u32 $0xFFFFFFC0, v60  }
0x7e: {  	v3 =	vor.u32 v3, v4  }
0x7f: {  	v4 =	vperm.xlane v3, v0;
	_ =	sdelay $0x1  }
0x80: {  	v4 =	vadd.s32 v1, v4;
	_ =	sdelay $0x4  }
0x81: {  	[tilespmem:s18], [sflag:$0x1] =	stream.indirect_vreg.gather [hbm4b:s3+s2], $0x80, v4, vm0, $0xb8;
	[tilespmem:$0x10100] =	vst v63  }
0x82: {  	v3 =	vperm.xlane v3, v2  }
0x83: {  	[tilespmem:s24], [sflag:$0x1] =	stream.indirect_vreg.gather [hbm4b:s4+s2], $0x80, v4, vm0, $0xb8;
	[tilespmem:$0x10100] =	vst v63  }
0x84: {  	v3 =	vadd.s32 v1, v3  }
0x85: {  	[tilespmem:s26], [sflag:$0x1] =	stream.indirect_vreg.gather [hbm4b:s5+s2], $0x80, v4, vm0, $0xb8;
	[tilespmem:$0x10100] =	vst v63  }
0x86: {  	_ = 	snop  }
0x87: {  	[tilespmem:s28], [sflag:$0x1] =	stream.indirect_vreg.gather [hbm4b:s6+s2], $0x80, v4, vm0, $0xb8;
	[tilespmem:$0x10100] =	vst v63  }
0x88: {  	_ = 	snop  }
0x89: {  	[tilespmem:s29], [sflag:$0x1] =	stream.indirect_vreg.gather [hbm4b:s3+s2], $0x80, v3, vm0, $0xb8;
	[tilespmem:$0x10100] =	vst v63  }
0x8a: {  	_ = 	snop  }
0x8b: {  	[tilespmem:s30], [sflag:$0x1] =	stream.indirect_vreg.gather [hbm4b:s4+s2], $0x80, v3, vm0, $0xb8;
	[tilespmem:$0x10100] =	vst v63  }
0x8c: {  	_ = 	snop  }
0x8d: {  	[tilespmem:s31], [sflag:$0x1] =	stream.indirect_vreg.gather [hbm4b:s5+s2], $0x80, v3, vm0, $0xb8;
	[tilespmem:$0x10100] =	vst v63  }
0x8e: {  	_ = 	snop  }
0x8f: {  	[tilespmem:s9], [sflag:$0x1] =	stream.indirect_vreg.gather [hbm4b:s6+s2], $0x80, v3, vm0, $0xb8;
	[tilespmem:$0x10100] =	vst v63  }
0x90: {  	s9 =	simm.s32 $0x2  }
0x91: {  	_ =	swait.ge [sflag:s9], $0x4000  }
0x92: {  	[sflag:s9] =	ssyncset.done $0x0  }
0x93: {  	s24 =	rddreg [dreg:$0x6];
	[sflag:s9] =	ssyncadd.s32 $0xFFFFC000  }
0x94: {  	[hbm4b:s24+s2] =	stream.linear.scatter [tilespmem:s25], [sflag:$0x5], $0x4000, $0x38;
	[tilespmem:$0x10100] =	vst v63  }
0x95: {  	_ =	swait.ge [sflag:s8], $0x4000  }
0x96: {  	[sflag:s8] =	ssyncset.done $0x0  }
0x97: {  	[sflag:s8] =	ssyncadd.s32 $0xFFFFC000  }
0x98: {  	v3 =	vld [tilespmem:$0xA0];
	_ =	sdelay $0x4  }
0x99: {  	v61 =	vshll.u32 v3, $0x3  }
0x9a: {  	v3 =	vand.u32 $0x7, v3;
	v4 =	vand.u32 $0xFFFFFFC0, v61  }
0x9b: {  	v3 =	vor.u32 v3, v4  }
0x9c: {  	v4 =	vperm.xlane v3, v0;
	_ =	sdelay $0x1  }
0x9d: {  	v4 =	vadd.s32 v1, v4;
	_ =	sdelay $0x4  }
0x9e: {  	[tilespmem:s25], [sflag:$0x2] =	stream.indirect_vreg.gather [hbm4b:s3+s2], $0x80, v4, vm0, $0xb8;
	[tilespmem:$0x10100] =	vst v63  }
0x9f: {  	v3 =	vperm.xlane v3, v2  }
0xa0: {  	[tilespmem:s17], [sflag:$0x2] =	stream.indirect_vreg.gather [hbm4b:s4+s2], $0x80, v4, vm0, $0xb8;
	[tilespmem:$0x10100] =	vst v63  }
0xa1: {  	v3 =	vadd.s32 v1, v3  }
0xa2: {  	[tilespmem:s11], [sflag:$0x2] =	stream.indirect_vreg.gather [hbm4b:s5+s2], $0x80, v4, vm0, $0xb8;
	[tilespmem:$0x10100] =	vst v63  }
0xa3: {  	_ = 	snop  }
0xa4: {  	[tilespmem:s12], [sflag:$0x2] =	stream.indirect_vreg.gather [hbm4b:s6+s2], $0x80, v4, vm0, $0xb8;
	[tilespmem:$0x10100] =	vst v63  }
0xa5: {  	_ = 	snop  }
0xa6: {  	[tilespmem:s13], [sflag:$0x2] =	stream.indirect_vreg.gather [hbm4b:s3+s2], $0x80, v3, vm0, $0xb8;
	[tilespmem:$0x10100] =	vst v63  }
0xa7: {  	_ = 	snop  }
0xa8: {  	[tilespmem:s14], [sflag:$0x2] =	stream.indirect_vreg.gather [hbm4b:s4+s2], $0x80, v3, vm0, $0xb8;
	[tilespmem:$0x10100] =	vst v63  }
0xa9: {  	_ = 	snop  }
0xaa: {  	[tilespmem:s15], [sflag:$0x2] =	stream.indirect_vreg.gather [hbm4b:s5+s2], $0x80, v3, vm0, $0xb8;
	[tilespmem:$0x10100] =	vst v63  }
0xab: {  	s11 =	simm.s32 $0x3  }
0xac: {  	[tilespmem:s16], [sflag:$0x2] =	stream.indirect_vreg.gather [hbm4b:s6+s2], $0x80, v3, vm0, $0xb8;
	[tilespmem:$0x10100] =	vst v63  }
0xad: {  	_ =	swait.ge [sflag:s11], $0x4000  }
0xae: {  	[sflag:s11] =	ssyncset.done $0x0  }
0xaf: {  	s12 =	rddreg [dreg:$0x7];
	[sflag:s11] =	ssyncadd.s32 $0xFFFFC000  }
0xb0: {  	[hbm4b:s12+s2] =	stream.linear.scatter [tilespmem:s10], [sflag:$0x5], $0x4000, $0x38;
	[tilespmem:$0x10100] =	vst v63  }
0xb1: {  	_ =	swait.ge [sflag:s8], $0x4000  }
0xb2: {  	[sflag:s8] =	ssyncset.done $0x0  }
0xb3: {  	[sflag:s8] =	ssyncadd.s32 $0xFFFFC000  }
0xb4: {  	v3 =	vld [tilespmem:$0x30];
	_ =	sdelay $0x4  }
0xb5: {  	v62 =	vshll.u32 v3, $0x3  }
0xb6: {  	v3 =	vand.u32 $0x7, v3;
	v4 =	vand.u32 $0xFFFFFFC0, v62  }
0xb7: {  	v3 =	vor.u32 v3, v4  }
0xb8: {  	v4 =	vperm.xlane v3, v0;
	_ =	sdelay $0x1  }
0xb9: {  	v4 =	vadd.s32 v1, v4;
	_ =	sdelay $0x4  }
0xba: {  	[tilespmem:s10], [sflag:$0x3] =	stream.indirect_vreg.gather [hbm4b:s3+s2], $0x80, v4, vm0, $0xb8;
	[tilespmem:$0x10100] =	vst v63  }
0xbb: {  	s13 =	simm.s32 $0x8900;
	v3 =	vperm.xlane v3, v2  }
0xbc: {  	[tilespmem:s13], [sflag:$0x3] =	stream.indirect_vreg.gather [hbm4b:s4+s2], $0x80, v4, vm0, $0xb8;
	[tilespmem:$0x10100] =	vst v63  }
0xbd: {  	s23 =	simm.s32 $0x9100;
	v3 =	vadd.s32 v1, v3  }
0xbe: {  	[tilespmem:s23], [sflag:$0x3] =	stream.indirect_vreg.gather [hbm4b:s5+s2], $0x80, v4, vm0, $0xb8;
	[tilespmem:$0x10100] =	vst v63  }
0xbf: {  	_ = 	snop  }
0xc0: {  	[tilespmem:s19], [sflag:$0x3] =	stream.indirect_vreg.gather [hbm4b:s6+s2], $0x80, v4, vm0, $0xb8;
	[tilespmem:$0x10100] =	vst v63  }
0xc1: {  	_ = 	snop  }
0xc2: {  	[tilespmem:s20], [sflag:$0x3] =	stream.indirect_vreg.gather [hbm4b:s3+s2], $0x80, v3, vm0, $0xb8;
	[tilespmem:$0x10100] =	vst v63  }
0xc3: {  	_ = 	snop  }
0xc4: {  	[tilespmem:s21], [sflag:$0x3] =	stream.indirect_vreg.gather [hbm4b:s4+s2], $0x80, v3, vm0, $0xb8;
	[tilespmem:$0x10100] =	vst v63  }
0xc5: {  	_ = 	snop  }
0xc6: {  	[tilespmem:s22], [sflag:$0x3] =	stream.indirect_vreg.gather [hbm4b:s5+s2], $0x80, v3, vm0, $0xb8;
	[tilespmem:$0x10100] =	vst v63  }
0xc7: {  	s24 =	simm.s32 $0xB900;
	s12 =	simm.s32 $0x4  }
0xc8: {  	[tilespmem:s24], [sflag:$0x3] =	stream.indirect_vreg.gather [hbm4b:s6+s2], $0x80, v3, vm0, $0xb8;
	[tilespmem:$0x10100] =	vst v63  }
0xc9: {  	_ =	swait.ge [sflag:s12], $0x4000  }
0xca: {  	[sflag:s12] =	ssyncset.done $0x0  }
0xcb: {  	s13 =	rddreg [dreg:$0x8];
	[sflag:s12] =	ssyncadd.s32 $0xFFFFC000  }
0xcc: {  	[hbm4b:s13+s2] =	stream.linear.scatter [tilespmem:s1], [sflag:$0x5], $0x4000, $0x38;
	[tilespmem:$0x10100] =	vst v63  }
0xcd: {  	_ =	swait.ge [sflag:s8], $0x4000  }
0xce: {  	[sflag:s8] =	ssyncset.done $0x0  }
0xcf: {  	[sflag:s8] =	ssyncadd.s32 $0xFFFFC000  }
0xd0: {  	v3 =	vld [tilespmem:$0xB0];
	_ =	sdelay $0x4  }
0xd1: {  	v63 =	vshll.u32 v3, $0x3  }
0xd2: {  	v3 =	vand.u32 $0x7, v3;
	v4 =	vand.u32 $0xFFFFFFC0, v63  }
0xd3: {  	v3 =	vor.u32 v3, v4  }
0xd4: {  	v4 =	vperm.xlane v3, v0;
	_ =	sdelay $0x1  }
0xd5: {  	v4 =	vadd.s32 v1, v4;
	_ =	sdelay $0x4  }
0xd6: {  	[tilespmem:s1], [sflag:$0x4] =	stream.indirect_vreg.gather [hbm4b:s3+s2], $0x80, v4, vm0, $0xb8;
	[tilespmem:$0x10100] =	vst v63  }
0xd7: {  	s23 =	simm.s32 $0xC900;
	v3 =	vperm.xlane v3, v2  }
0xd8: {  	[tilespmem:s23], [sflag:$0x4] =	stream.indirect_vreg.gather [hbm4b:s4+s2], $0x80, v4, vm0, $0xb8;
	[tilespmem:$0x10100] =	vst v63  }
0xd9: {  	s24 =	simm.s32 $0xD100;
	v3 =	vadd.s32 v1, v3  }
0xda: {  	[tilespmem:s24], [sflag:$0x4] =	stream.indirect_vreg.gather [hbm4b:s5+s2], $0x80, v4, vm0, $0xb8;
	[tilespmem:$0x10100] =	vst v63  }
0xdb: {  	s23 =	simm.s32 $0xD900  }
0xdc: {  	[tilespmem:s23], [sflag:$0x4] =	stream.indirect_vreg.gather [hbm4b:s6+s2], $0x80, v4, vm0, $0xb8;
	[tilespmem:$0x10100] =	vst v63  }
0xdd: {  	s24 =	simm.s32 $0xE100  }
0xde: {  	[tilespmem:s24], [sflag:$0x4] =	stream.indirect_vreg.gather [hbm4b:s3+s2], $0x80, v3, vm0, $0xb8;
	[tilespmem:$0x10100] =	vst v63  }
0xdf: {  	s23 =	simm.s32 $0xE900  }
0xe0: {  	[tilespmem:s23], [sflag:$0x4] =	stream.indirect_vreg.gather [hbm4b:s4+s2], $0x80, v3, vm0, $0xb8;
	[tilespmem:$0x10100] =	vst v63  }
0xe1: {  	s24 =	simm.s32 $0xF100  }
0xe2: {  	[tilespmem:s24], [sflag:$0x4] =	stream.indirect_vreg.gather [hbm4b:s5+s2], $0x80, v3, vm0, $0xb8;
	[tilespmem:$0x10100] =	vst v63  }
0xe3: {  	s23 =	simm.s32 $0xF900  }
0xe4: {  	[tilespmem:s23], [sflag:$0x4] =	stream.indirect_vreg.gather [hbm4b:s6+s2], $0x80, v3, vm0, $0xb8;
	[tilespmem:$0x10100] =	vst v63  }
0xe5: {  	_ =	swait.ge [sflag:s0], $0x4000  }
0xe6: {  	[sflag:s0] =	ssyncset.done $0x0  }
0xe7: {  	s24 =	rddreg [dreg:$0x9];
	[sflag:s0] =	ssyncadd.s32 $0xFFFFC000  }
0xe8: {  	[hbm4b:s24+s2] =	stream.linear.scatter [tilespmem:s18], [sflag:$0x5], $0x4000, $0x38;
	[tilespmem:$0x10100] =	vst v63  }
0xe9: {  	_ =	swait.ge [sflag:s8], $0x4000  }
0xea: {  	[sflag:s8] =	ssyncset.done $0x0  }
0xeb: {  	[sflag:s8] =	ssyncadd.s32 $0xFFFFC000  }
0xec: {  	_ =	swait.ge [sflag:s9], $0x4000  }
0xed: {  	[sflag:s9] =	ssyncset.done $0x0  }
0xee: {  	s0 =	rddreg [dreg:$0xa];
	[sflag:s9] =	ssyncadd.s32 $0xFFFFC000  }
0xef: {  	[hbm4b:s0+s2] =	stream.linear.scatter [tilespmem:s25], [sflag:$0x5], $0x4000, $0x38;
	[tilespmem:$0x10100] =	vst v63  }
0xf0: {  	_ =	swait.ge [sflag:s8], $0x4000  }
0xf1: {  	[sflag:s8] =	ssyncset.done $0x0  }
0xf2: {  	[sflag:s8] =	ssyncadd.s32 $0xFFFFC000  }
0xf3: {  	_ =	swait.ge [sflag:s11], $0x4000  }
0xf4: {  	[sflag:s11] =	ssyncset.done $0x0  }
0xf5: {  	s13 =	rddreg [dreg:$0xb];
	[sflag:s11] =	ssyncadd.s32 $0xFFFFC000  }
0xf6: {  	[hbm4b:s13+s2] =	stream.linear.scatter [tilespmem:s10], [sflag:$0x5], $0x4000, $0x38;
	[tilespmem:$0x10100] =	vst v63  }
0xf7: {  	_ =	swait.ge [sflag:s8], $0x4000  }
0xf8: {  	[sflag:s8] =	ssyncset.done $0x0  }
0xf9: {  	[sflag:s8] =	ssyncadd.s32 $0xFFFFC000  }
0xfa: {  	_ =	swait.ge [sflag:s12], $0x4000  }
0xfb: {  	p0 =	sne.s32 s7, $0x1;
	[sflag:s12] =	ssyncset.done $0x0  }
.Ltmp0:
0xfc: {  	s24 =	rddreg [dreg:$0xc];
	[sflag:s12] =	ssyncadd.s32 $0xFFFFC000;
	(pc) =	sbr.rel @p0 .LBB2_1-.Ltmp0, $4  }
0xfd: {  	[hbm4b:s24+s2] =	stream.linear.scatter [tilespmem:s1], [sflag:$0x5], $0x4000, $0x38;
	[tilespmem:$0x10100] =	vst v63  }
0xfe: {  	_ =	swait.ge [sflag:s8], $0x4000  }
0xff: {  	[sflag:s8] =	ssyncset.done $0x0  }
0x100: {  	s7 =	sadd.s32 $0xFFFFFFFF, s7;
	[sflag:s8] =	ssyncadd.s32 $0xFFFFC000  }
0x101: {  	_ =	sfence.sel $0x180000  }
0x102: {  	[bflag:$0x0] =	sbarrier.arrive $0xFFFF  }
0x103: {  	_ =	strace $0x9000004A  }
0x104: {  	s0 =	stileid.u32;
	[bflag:$0x2] =	sbarrier.arrive $0xFFFF  }
0x105: {  	p0 =	sne.s32 s0, $0x0;
	s0 =	rddreg [dreg:$0x2]  }
0x106: {  	s0 =	sadd.s32 @!p0 $0x100000, s0  }
0x107: {  	[sflag:s0] =	ssyncadd.tile.s32 @!p0 $0x1;
	_ =	shalt  }
.Lfunc_end2:
_tile_overlayer_lowered:
.L_overlay_start_2:
0x108: {  	(tag) =	ssettag $0x2  }
0x109: {  	s0 =	rddreg [dreg:$0x0];
	s2 =	stileid.u32  }
0x10a: {  	s1 =	rddreg [dreg:$0x1];
	p0 =	sne.s32 s2, $0x0  }
0x10b: {  	s3 =	rddreg [dreg:$0x2];
	[bflag:$0x3] =	sbarrier.arrive $0xFFFF;
	s2 =	simm.s32 @!p0 $0x1C05  }
0x10c: {  	[timem:s3], [sflag:s2] =	dma.local @!p0 [hbm:s0], s1  }
0x10d: {  	s0 =	simm.s32 @!p0 $0x5  }
0x10e: {  	_ =	swait.ge @!p0 [sflag:s0], s1  }
0x10f: {  	s1 =	ssub.s32 @!p0 $0x0, s1;
	[sflag:s0] =	ssyncset.done @!p0 $0x0  }
0x110: {  	[sflag:s0] =	ssyncadd.s32 @!p0 s1  }
0x111: {  	[bflag:$0x3] =	sbarrier.arrive $0xFFFF  }
0x112: {  	_ =	shalt  }

// kernel: kernel.7.cloned.1.call-start
scs
__scs_entry_jumppad:
0x0: {  	(pc) =	sbr.rel $0x88, $3  }
0x1: {  	(tag) =	ssettag $0x0;
	lr =	simm.s32 $0x1  }
0x2: {  	[smem:$0x3F98] =	sst lr;
	_ =	strace $0xD0000000  }
0x3: {  	_ = 	snop  }
0x4: {  	_ = 	snop  }
0x5: {  	_ = 	snop  }
0x6: {  	_ = 	snop  }
0x7: {  	_ = 	snop  }
__scs_overlays_trampoline_lowered:
0x8: {  	[smem:$0x3FA7] =	sst s0  }
0x9: {  	[smem:$0x3FA8] =	sst s1  }
0xa: {  	[smem:$0x3FA9] =	sst s2  }
0xb: {  	[smem:$0x3FAA] =	sst s3  }
0xc: {  	[smem:$0x3FAB] =	sst s4  }
0xd: {  	[smem:$0x3FAC] =	sst s5  }
0xe: {  	[smem:$0x3FAD] =	sst s6  }
0xf: {  	[smem:$0x3FAE] =	sst s7  }
0x10: {  	[smem:$0x3FAF] =	sst s8  }
0x11: {  	[smem:$0x3FB0] =	sst s9;
	s0 =	simm.s32 @!p0 $0x0  }
0x12: {  	s1 =	sld [smem:$0x3F96];
	s0 =	simm.s32 @p0 $0x1  }
0x13: {  	[smem:$0x3FB1] =	sst s0;
	s0 =	simm.s32 @!p1 $0x0  }
0x14: {  	s2 =	sld [smem:$0x3F95];
	s0 =	simm.s32 @p1 $0x1  }
0x15: {  	[smem:$0x3FB2] =	sst s0;
	s0 =	simm.s32 @!p2 $0x0  }
0x16: {  	s3 =	sld [smem:$0x3FDB];
	s0 =	simm.s32 @p2 $0x1  }
0x17: {  	s4 =	simm.s32 $0x1BF5;
	[smem:$0x3FB4] =	sst s0  }
0x18: {  	s0 =	sld [smem:$0x3F97];
	_ =	swait.ge [sflag:s4], $0x0  }
0x19: {  	s7 =	sld [smem:$0x3F98]  }
0x1a: {  	s8 =	sadd.s32 $0xFFFFE003, lr  }
0x1b: {  	s9 =	sadd.s32 $0xFFFFFEF7, lr;
	s5 =	simm.s32 $0xFFFFFFFF;
	p2 =	slt.u32 s8, $0xFFFFF086  }
0x1c: {  	p1 =	slt.u32 s9, $0xF7A;
	s5 =	simm.s32 @!p2 $0x0  }
0x1d: {  	s5 =	simm.s32 @p1 $0x1;
	p0 =	seq.s32 s7, s2  }
0x1e: {  	s7 =	smul.u32 @!p0 $0xF7A, s2;
	p2 =	seq.s32 @!p0 s5, $0x0  }
0x1f: {  	s9 =	smul.u32 $0xF7A, s1;
	s8 =	simm.s32 @!p0 $0x1BF5;
	p2 =	por !p2, p0  }
0x20: {  	[sflag:s8] =	ssyncset.s32 @!p0 $0xFFFFF086;
	s6 =	sadd.s32 @!p0 s3, s7;
	s7 =	simm.s32 @!p0 $0x108  }
0x21: {  	s3 =	sadd.s32 s3, s9;
	s6 =	sadd.s32 @!p0 $0x88, s6;
	s7 =	simm.s32 @p2 $0x1082  }
0x22: {  	[simem:s7], [sflag:s8] =	dma.local @!p0 [hbm:s6], $0xF7A  }
0x23: {  	s9 =	sor.u32 $0xD0000000, s2;
	s6 =	simm.s32 $0x108;
	_ =	swait.ge @!p0 [sflag:s8], $0x0  }
0x24: {  	s3 =	sadd.s32 $0x88, s3;
	s6 =	simm.s32 @!p1 $0x1082;
	[sflag:s4] =	ssyncset.s32 $0xFFFFF086  }
0x25: {  	[simem:s6], [sflag:s4] =	dma.local [hbm:s3], $0xF7A  }
0x26: {  	[smem:$0x3F98] =	sst s1;
	(tag) =	ssettag s2;
	_ =	strace s9  }
0x27: {  	s1 =	sld [smem:$0x3FA8]  }
0x28: {  	s2 =	sld [smem:$0x3FA9]  }
0x29: {  	s4 =	sld [smem:$0x3FAB]  }
0x2a: {  	p0 =	seq.s32 s5, $0x0;
	s5 =	sld [smem:$0x3FAC]  }
0x2b: {  	s6 =	sld [smem:$0x3FAD]  }
0x2c: {  	s7 =	sld [smem:$0x3FAE]  }
0x2d: {  	s3 =	simm.s32 $0x108;
	s8 =	sld [smem:$0x3FAF]  }
0x2e: {  	s3 =	simm.s32 @!p0 $0x1082;
	s9 =	sld [smem:$0x3FB0]  }
0x2f: {  	lr =	sadd.s32 s0, s3;
	s0 =	sld [smem:$0x3FA7]  }
0x30: {  	s3 =	sld [smem:$0x3FAA]  }
0x31: {  	[smem:$0x3FB3] =	sst s10  }
0x32: {  	s10 =	sld [smem:$0x3FB1];
	_ =	sdelay $0x3  }
0x33: {  	p0 =	seq.s32 s10, $0x1;
	s10 =	sld [smem:$0x3FB3];
	_ =	sdelay $0x3  }
0x34: {  	[smem:$0x3FB3] =	sst s10  }
0x35: {  	s10 =	sld [smem:$0x3FB2];
	_ =	sdelay $0x3  }
0x36: {  	p1 =	seq.s32 s10, $0x1;
	s10 =	sld [smem:$0x3FB3];
	_ =	sdelay $0x3  }
0x37: {  	[smem:$0x3FB3] =	sst s10  }
0x38: {  	s10 =	sld [smem:$0x3FB4]  }
0x39: {  	_ = 	snop;
	(pc) =	sbr.ind lr, $3  }
0x3a: {  	_ = 	snop  }
0x3b: {  	_ = 	snop  }
0x3c: {  	p2 =	seq.s32 s10, $0x1;
	s10 =	sld [smem:$0x3FB3]  }
0x3d: {  	_ =	shalt  }
0x3e: {  	_ =	shalt  }
0x3f: {  	_ =	shalt  }
0x40: {  	_ =	shalt  }
0x41: {  	_ =	shalt  }
0x42: {  	_ =	shalt  }
0x43: {  	_ =	shalt  }
0x44: {  	_ =	shalt  }
0x45: {  	_ =	shalt  }
0x46: {  	_ =	shalt  }
0x47: {  	_ =	shalt  }
0x48: {  	_ =	shalt  }
0x49: {  	_ =	shalt  }
0x4a: {  	_ =	shalt  }
0x4b: {  	_ =	shalt  }
0x4c: {  	_ =	shalt  }
0x4d: {  	_ =	shalt  }
0x4e: {  	_ =	shalt  }
0x4f: {  	_ =	shalt  }
0x50: {  	_ =	shalt  }
0x51: {  	_ =	shalt  }
0x52: {  	_ =	shalt  }
0x53: {  	_ =	shalt  }
0x54: {  	_ =	shalt  }
0x55: {  	_ =	shalt  }
0x56: {  	_ =	shalt  }
0x57: {  	_ =	shalt  }
0x58: {  	_ =	shalt  }
0x59: {  	_ =	shalt  }
0x5a: {  	_ =	shalt  }
0x5b: {  	_ =	shalt  }
0x5c: {  	_ =	shalt  }
0x5d: {  	_ =	shalt  }
0x5e: {  	_ =	shalt  }
0x5f: {  	_ =	shalt  }
0x60: {  	_ =	shalt  }
0x61: {  	_ =	shalt  }
0x62: {  	_ =	shalt  }
0x63: {  	_ =	shalt  }
0x64: {  	_ =	shalt  }
0x65: {  	_ =	shalt  }
0x66: {  	_ =	shalt  }
0x67: {  	_ =	shalt  }
0x68: {  	_ =	shalt  }
0x69: {  	_ =	shalt  }
0x6a: {  	_ =	shalt  }
0x6b: {  	_ =	shalt  }
0x6c: {  	_ =	shalt  }
0x6d: {  	_ =	shalt  }
0x6e: {  	_ =	shalt  }
0x6f: {  	_ =	shalt  }
0x70: {  	_ =	shalt  }
0x71: {  	_ =	shalt  }
0x72: {  	_ =	shalt  }
0x73: {  	_ =	shalt  }
0x74: {  	_ =	shalt  }
0x75: {  	_ =	shalt  }
0x76: {  	_ =	shalt  }
0x77: {  	_ =	shalt  }
0x78: {  	_ =	shalt  }
0x79: {  	_ =	shalt  }
0x7a: {  	_ =	shalt  }
0x7b: {  	_ =	shalt  }
0x7c: {  	_ =	shalt  }
0x7d: {  	_ =	shalt  }
0x7e: {  	_ =	shalt  }
0x7f: {  	_ =	shalt  }
0x80: {  	_ =	shalt  }
0x81: {  	_ =	shalt  }
0x82: {  	_ =	shalt  }
0x83: {  	_ =	shalt  }
0x84: {  	_ =	shalt  }
0x85: {  	_ =	shalt  }
0x86: {  	_ =	shalt  }
0x87: {  	_ =	shalt  }
.Lfunc_end0:
.L_simem_size_0:
called_computation_lowered:
.L_overlay_start_0:
0x88: {  	s2 =	sld [smem:$0x3FD9]  }
0x89: {  	s3 =	sld [smem:$0x3FFE];
	_ =	sdelay $0x1  }
0x8a: {  	s1 =	srdreg.scid  }
0x8b: {  	s0 =	sand.u32 $0x1, s1  }
0x8c: {  	s14 =	sshll.u32 s0, $0xA;
	s2 =	sadd.s32 s3, s2  }
0x8d: {  	s2 =	sadd.s32 s2, s14  }
0x8e: {  	[smem:$0x3FBF] =	sst s2  }
0x8f: {  	_ = 	snop  }
0x90: {  	s2 =	sld [smem:$0x3FD0];
	_ =	sdelay $0x2  }
0x91: {  	s4 =	simm.s32 $0xA;
	s5 =	simm.s32 $0x10;
	s15 =	sld [smem:$0x3FC9]  }
0x92: {  	[smem:s5], [sflag:s4] =	dma.local [hbm:s2], $0x1  }
0x93: {  	_ =	swait.eq [sflag:s4], $0x1  }
0x94: {  	[sflag:s4] =	ssyncset.done $0x0  }
0x95: {  	[sflag:s4] =	ssyncadd.s32 $0xFFFFFFFF  }
0x96: {  	s16 =	sld [smem:$0x10];
	(tm) =	ssettm $0x1  }
0x97: {  	s17 =	sld [smem:$0x3FFB];
	_ =	sdelay $0x3  }
0x98: {  	_ =	strace s17  }
0x99: {  	s4 =	sld [smem:$0x3FFC];
	_ =	sdelay $0x3  }
0x9a: {  	_ =	strace s4  }
0x9b: {  	s4 =	sld [smem:$0x3FFD];
	_ =	sdelay $0x3  }
0x9c: {  	_ =	strace s4  }
0x9d: {  	_ =	strace $0x8FFFFFFF  }
0x9e: {  	s18 =	sld [smem:$0x3FDB];
	_ =	sdelay $0x1  }
0x9f: {  	s19 =	simm.s32 $_scs_section_size  }
0xa0: {  	s6 =	simm.s32 $_size__tile_overlayer_lowered;
	s7 =	simm.s32 $_tile_overlayer_lowered  }
0xa1: {  	s22 =	simm.s32 $0x1BFF;
	s21 =	sshll.u32 s7, $0x1;
	s4 =	sadd.s32 s19, s18  }
0xa2: {  	s8 =	simm.s32 $0x0;
	s20 =	sshll.u32 s6, $0x1;
	s6 =	sadd.s32 s21, s4  }
0xa3: {  	[timem:s8], [sflag:s22] =	dma.local [hbm:s6], s20  }
0xa4: {  	_ =	swait.ge [sflag:s22], s20  }
0xa5: {  	s5 =	ssub.s32 $0x0, s20;
	[sflag:s22] =	ssyncset.done $0x0  }
0xa6: {  	[sflag:s22] =	ssyncadd.s32 s5;
	_ =	sdelay $0x1  }
0xa7: {  	s23 =	simm.s32 $0x1B8B  }
0xa8: {  	_ =	swait.ge [sflag:s23], $0x1  }
0xa9: {  	[sflag:s23] =	ssyncset.done $0x0  }
0xaa: {  	s25 =	simm.s32 $0x1B8E;
	s24 =	sld [smem:$0x3FFE];
	[sflag:s23] =	ssyncadd.s32 $0xFFFFFFFF  }
0xab: {  	s26 =	simm.s32 $execute0_lowered;
	[smem:$0x3FD2] =	sst s25  }
0xac: {  	s6 =	sshll.u32 s26, $0x1;
	_ =	strace $0x80000046;
	[dreg:$0x1] =	wrdreg $0xFFFFFFFF  }
0xad: {  	s28 =	simm.s32 $_size_execute0_lowered;
	s4 =	sadd.s32 s4, s6;
	[dreg:$0x0] =	wrdreg $0x0  }
0xae: {  	s6 =	sshll.u32 s28, $0x1;
	[dreg:$0x2] =	wrdreg s4  }
0xaf: {  	[dreg:$0x3] =	wrdreg s6  }
0xb0: {  	[dreg:$0x4] =	wrdreg $0xC0  }
0xb1: {  	_ =	task [dreg:s8], $0x5FFFF  }
0xb2: {  	[dreg:$0x1] =	wrdreg $0xFFFFFFFF  }
0xb3: {  	[dreg:$0x0] =	wrdreg $0x60  }
0xb4: {  	[dreg:$0x2] =	wrdreg s24  }
0xb5: {  	[dreg:$0x3] =	wrdreg s16  }
0xb6: {  	[dreg:$0x4] =	wrdreg s15  }
0xb7: {  	[dreg:$0x5] =	wrdreg $0x9  }
0xb8: {  	_ =	task.clear_ibuf [dreg:s8], $0x6FFFF;
	_ =	strace $0x90000046  }
0xb9: {  	s29 =	simm.s32 $0x9;
	_ =	strace $0x80000048  }
0xba: {  	_ =	swait.ge [sflag:s29], $0x1  }
0xbb: {  	[sflag:s29] =	ssyncadd.s32 $0xFFFFFFFF  }
0xbc: {  	_ =	strace $0x90000048  }
0xbd: {  	_ =	sfence  }
0xbe: {  	s30 =	sld [smem:$0x0];
	_ =	sdelay $0x2  }
0xbf: {  	s31 =	sshll.u32 s1, $0xD;
	s1 =	sshrl.u32 s1, $0x2  }
0xc0: {  	s3 =	sand.u32 $0x4000, s31;
	s1 =	sadd.s32 s1, s30  }
0xc1: {  	s0 =	sor.u32 s3, s0;
	s1 =	sshll.u32 s1, $0x11  }
0xc2: {  	s0 =	sor.u32 s1, s0  }
0xc3: {  	s0 =	sadd.s32 $0x8F2B, s0  }
0xc4: {  	[sflag:s0] =	ssyncadd.remote.s32 $0x1  }
0xc5: {  	_ =	sfence.sel $0xFFFF  }
0xc6: {  	[dreg:$0x0] =	wrdreg $0xFFFFFFFF;
	(pc) =	sbr.abs _section_cstart, $3  }
0xc7: {  	[dreg:$0x1] =	wrdreg $0xFFFFFFFF  }
0xc8: {  	_ =	task.clear_ibuf [dreg:s8], $0x2FFFF;
	_ =	strace $0x9FFFFFFF  }
0xc9: {  	(tm) =	ssettm $0x7FFFFFFF  }
tec
execute0_lowered:
.L_overlay_start_1:
0x0: {  	(tag) =	ssettag $0x1  }
0x1: {  	s0 =	rddreg [dreg:$0x0];
	s1 =	srdreg.scid  }
0x2: {  	s4 =	rddreg [dreg:$0x1];
	s2 =	stileid.u32  }
0x3: {  	s5 =	rddreg [dreg:$0x2];
	s26 =	simm.s32 $0x80;
	s18 =	simm.s32 $0x100  }
0x4: {  	s22 =	simm.s32 $0x1900;
	s23 =	simm.s32 $0x2100;
	s24 =	simm.s32 $0x2900  }
0x5: {  	s28 =	simm.s32 $0x4100;
	s29 =	simm.s32 $0x4900;
	s30 =	simm.s32 $0x5100  }
0x6: {  	s31 =	simm.s32 $0x5900;
	s10 =	simm.s32 $0x7100;
	s11 =	simm.s32 $0x7900  }
0x7: {  	s12 =	simm.s32 $0x8100;
	s13 =	simm.s32 $0x8900;
	s14 =	simm.s32 $0x9100  }
0x8: {  	s15 =	simm.s32 $0x9900;
	s16 =	simm.s32 $0xA100;
	s17 =	simm.s32 $0xA900  }
0x9: {  	s1 =	sand.u32 $0x1, s1;
	s3 =	sshll.u32 s2, $0x7;
	s2 =	simm.s32 $0x0  }
0xa: {  	s19 =	simm.s32 $0xB900;
	s6 =	sshll.u32 s1, $0x6;
	[smem:$0x7FF] =	sst s2  }
0xb: {  	s1 =	ssub.s32 $0x2, s1;
	s6 =	sor.u32 s6, s3;
	_ =	strace $0x80000047  }
0xc: {  	s3 =	sadd.s32 $0x1800, s0;
	s9 =	sshrl.u32 s1, $0x1;
	[dreg:$0x7] =	wrdreg s26  }
0xd: {  	s26 =	simm.s32 $0x3900;
	s7 =	sshrl.u32 s6, $0x3;
	s6 =	sshll.u32 s6, $0x7  }
0xe: {  	s1 =	ssub.s32 s1, s9;
	s9 =	simm.s32 $0xB100;
	s8 =	sadd.s32 s7, s0  }
0xf: {  	s4 =	sadd.s32 s4, s7;
	s25 =	sadd.s32 s5, s6;
	s5 =	sadd.s32 $0x1A00, s0  }
0x10: {  	v2 =	vlaneseq.u32;
	s6 =	sadd.s32 $0x1B00, s0;
	s7 =	smax.u32 s1, $0x1;
	[dreg:$0x5] =	wrdreg s4  }
0x11: {  	vm0 =	vmmov $0xffff;
	v1 =	vshrl.u32 v2, $0x3;
	s8 =	sadd.s32 $0x1600, s8;
	[dreg:$0x6] =	wrdreg s25;
	s4 =	sadd.s32 $0x1900, s0  }
0x12: {  	v0 =	vand.u32 $0x7, v2;
	v2 =	vor.u32 $0x8, v2;
	v1 =	vmul.u32 $0x8, v1;
	s25 =	simm.s32 $0x3100;
	[dreg:$0x4] =	wrdreg s8;
	s8 =	simm.s32 $0x3  }
.LBB2_1:
0x13: {  	s20 =	rddreg [dreg:$0x4]  }
0x14: {  	[tilespmem:s2], [sflag:$0x3] =	stream.linear.gather [hbm4b:s20+s2], $0x40, $0x38;
	[tilespmem:$0x10100] =	vst v63  }
0x15: {  	_ =	swait.ge [sflag:s8], $0x40  }
0x16: {  	s0 =	rddreg [dreg:$0x5];
	[sflag:s8] =	ssyncset.done $0x0  }
0x17: {  	s21 =	rddreg [dreg:$0x7];
	[sflag:s8] =	ssyncadd.s32 $0xFFFFFFC0  }
0x18: {  	[tilespmem:s21], [sflag:$0x3] =	stream.linear.gather [hbm4b:s0+s2], $0x40, $0x38;
	[tilespmem:$0x10100] =	vst v63  }
0x19: {  	_ =	swait.ge [sflag:s8], $0x40  }
0x1a: {  	[sflag:s8] =	ssyncset.done $0x0  }
0x1b: {  	s1 =	rddreg [dreg:$0x6];
	[sflag:s8] =	ssyncadd.s32 $0xFFFFFFC0  }
0x1c: {  	[tilespmem:s18], [sflag:$0x3] =	stream.linear.gather [hbm4b:s1+s2], $0x10000, $0x38;
	[tilespmem:$0x10100] =	vst v63  }
0x1d: {  	_ =	swait.ge [sflag:s8], $0x10000  }
0x1e: {  	[sflag:s8] =	ssyncset.done $0x0  }
0x1f: {  	[sflag:s8] =	ssyncadd.s32 $0xFFFF0000  }
0x20: {  	v3 =	vld [tilespmem:$0x0];
	_ =	sdelay $0x4  }
0x21: {  	v4 =	vshll.u32 v3, $0x3  }
0x22: {  	v3 =	vand.u32 $0x7, v3;
	v4 =	vand.u32 $0xFFFFFFC0, v4  }
0x23: {  	v3 =	vor.u32 v3, v4  }
0x24: {  	v4 =	vperm.xlane v3, v0;
	_ =	sdelay $0x1  }
0x25: {  	v4 =	vadd.s32 v1, v4;
	_ =	sdelay $0x4  }
0x26: {  	[hbm4b:s3+s2] =	stream.indirect_vreg.scatter [tilespmem:s18], [sflag:$0x1], $0x80, v4, vm0, $0xb8;
	[tilespmem:$0x10100] =	vst v63  }
0x27: {  	s20 =	simm.s32 $0x900;
	v3 =	vperm.xlane v3, v2  }
0x28: {  	[hbm4b:s4+s2] =	stream.indirect_vreg.scatter [tilespmem:s20], [sflag:$0x1], $0x80, v4, vm0, $0xb8;
	[tilespmem:$0x10100] =	vst v63  }
0x29: {  	s21 =	simm.s32 $0x1100;
	v3 =	vadd.s32 v1, v3  }
0x2a: {  	[hbm4b:s5+s2] =	stream.indirect_vreg.scatter [tilespmem:s21], [sflag:$0x1], $0x80, v4, vm0, $0xb8;
	[tilespmem:$0x10100] =	vst v63  }
0x2b: {  	_ = 	snop  }
0x2c: {  	[hbm4b:s6+s2] =	stream.indirect_vreg.scatter [tilespmem:s22], [sflag:$0x1], $0x80, v4, vm0, $0xb8;
	[tilespmem:$0x10100] =	vst v63  }
0x2d: {  	_ = 	snop  }
0x2e: {  	[hbm4b:s3+s2] =	stream.indirect_vreg.scatter [tilespmem:s23], [sflag:$0x1], $0x80, v3, vm0, $0xb8;
	[tilespmem:$0x10100] =	vst v63  }
0x2f: {  	_ = 	snop  }
0x30: {  	[hbm4b:s4+s2] =	stream.indirect_vreg.scatter [tilespmem:s24], [sflag:$0x1], $0x80, v3, vm0, $0xb8;
	[tilespmem:$0x10100] =	vst v63  }
0x31: {  	_ = 	snop  }
0x32: {  	[hbm4b:s5+s2] =	stream.indirect_vreg.scatter [tilespmem:s25], [sflag:$0x1], $0x80, v3, vm0, $0xb8;
	[tilespmem:$0x10100] =	vst v63  }
0x33: {  	_ = 	snop  }
0x34: {  	[hbm4b:s6+s2] =	stream.indirect_vreg.scatter [tilespmem:s26], [sflag:$0x1], $0x80, v3, vm0, $0xb8;
	[tilespmem:$0x10100] =	vst v63  }
0x35: {  	v3 =	vld [tilespmem:$0x10];
	_ =	sdelay $0x4  }
0x36: {  	v57 =	vshll.u32 v3, $0x3  }
0x37: {  	v3 =	vand.u32 $0x7, v3;
	v4 =	vand.u32 $0xFFFFFFC0, v57  }
0x38: {  	v3 =	vor.u32 v3, v4  }
0x39: {  	v4 =	vperm.xlane v3, v0;
	_ =	sdelay $0x1  }
0x3a: {  	v4 =	vadd.s32 v1, v4;
	_ =	sdelay $0x4  }
0x3b: {  	[hbm4b:s3+s2] =	stream.indirect_vreg.scatter [tilespmem:s28], [sflag:$0x1], $0x80, v4, vm0, $0xb8;
	[tilespmem:$0x10100] =	vst v63  }
0x3c: {  	v3 =	vperm.xlane v3, v2  }
0x3d: {  	[hbm4b:s4+s2] =	stream.indirect_vreg.scatter [tilespmem:s29], [sflag:$0x1], $0x80, v4, vm0, $0xb8;
	[tilespmem:$0x10100] =	vst v63  }
0x3e: {  	v3 =	vadd.s32 v1, v3  }
0x3f: {  	[hbm4b:s5+s2] =	stream.indirect_vreg.scatter [tilespmem:s30], [sflag:$0x1], $0x80, v4, vm0, $0xb8;
	[tilespmem:$0x10100] =	vst v63  }
0x40: {  	_ = 	snop  }
0x41: {  	[hbm4b:s6+s2] =	stream.indirect_vreg.scatter [tilespmem:s31], [sflag:$0x1], $0x80, v4, vm0, $0xb8;
	[tilespmem:$0x10100] =	vst v63  }
0x42: {  	s1 =	simm.s32 $0x6100  }
0x43: {  	[hbm4b:s3+s2] =	stream.indirect_vreg.scatter [tilespmem:s1], [sflag:$0x1], $0x80, v3, vm0, $0xb8;
	[tilespmem:$0x10100] =	vst v63  }
0x44: {  	s0 =	simm.s32 $0x6900  }
0x45: {  	[hbm4b:s4+s2] =	stream.indirect_vreg.scatter [tilespmem:s0], [sflag:$0x1], $0x80, v3, vm0, $0xb8;
	[tilespmem:$0x10100] =	vst v63  }
0x46: {  	_ = 	snop  }
0x47: {  	[hbm4b:s5+s2] =	stream.indirect_vreg.scatter [tilespmem:s10], [sflag:$0x1], $0x80, v3, vm0, $0xb8;
	[tilespmem:$0x10100] =	vst v63  }
0x48: {  	_ = 	snop  }
0x49: {  	[hbm4b:s6+s2] =	stream.indirect_vreg.scatter [tilespmem:s11], [sflag:$0x1], $0x80, v3, vm0, $0xb8;
	[tilespmem:$0x10100] =	vst v63  }
0x4a: {  	v3 =	vld [tilespmem:$0x20];
	_ =	sdelay $0x4  }
0x4b: {  	v58 =	vshll.u32 v3, $0x3  }
0x4c: {  	v3 =	vand.u32 $0x7, v3;
	v4 =	vand.u32 $0xFFFFFFC0, v58  }
0x4d: {  	v3 =	vor.u32 v3, v4  }
0x4e: {  	v4 =	vperm.xlane v3, v0;
	_ =	sdelay $0x1  }
0x4f: {  	v4 =	vadd.s32 v1, v4;
	_ =	sdelay $0x4  }
0x50: {  	[hbm4b:s3+s2] =	stream.indirect_vreg.scatter [tilespmem:s12], [sflag:$0x1], $0x80, v4, vm0, $0xb8;
	[tilespmem:$0x10100] =	vst v63  }
0x51: {  	v3 =	vperm.xlane v3, v2  }
0x52: {  	[hbm4b:s4+s2] =	stream.indirect_vreg.scatter [tilespmem:s13], [sflag:$0x1], $0x80, v4, vm0, $0xb8;
	[tilespmem:$0x10100] =	vst v63  }
0x53: {  	v3 =	vadd.s32 v1, v3  }
0x54: {  	[hbm4b:s5+s2] =	stream.indirect_vreg.scatter [tilespmem:s14], [sflag:$0x1], $0x80, v4, vm0, $0xb8;
	[tilespmem:$0x10100] =	vst v63  }
0x55: {  	_ = 	snop  }
0x56: {  	[hbm4b:s6+s2] =	stream.indirect_vreg.scatter [tilespmem:s15], [sflag:$0x1], $0x80, v4, vm0, $0xb8;
	[tilespmem:$0x10100] =	vst v63  }
0x57: {  	_ = 	snop  }
0x58: {  	[hbm4b:s3+s2] =	stream.indirect_vreg.scatter [tilespmem:s16], [sflag:$0x1], $0x80, v3, vm0, $0xb8;
	[tilespmem:$0x10100] =	vst v63  }
0x59: {  	_ = 	snop  }
0x5a: {  	[hbm4b:s4+s2] =	stream.indirect_vreg.scatter [tilespmem:s17], [sflag:$0x1], $0x80, v3, vm0, $0xb8;
	[tilespmem:$0x10100] =	vst v63  }
0x5b: {  	_ = 	snop  }
0x5c: {  	[hbm4b:s5+s2] =	stream.indirect_vreg.scatter [tilespmem:s9], [sflag:$0x1], $0x80, v3, vm0, $0xb8;
	[tilespmem:$0x10100] =	vst v63  }
0x5d: {  	_ = 	snop  }
0x5e: {  	[hbm4b:s6+s2] =	stream.indirect_vreg.scatter [tilespmem:s19], [sflag:$0x1], $0x80, v3, vm0, $0xb8;
	[tilespmem:$0x10100] =	vst v63  }
0x5f: {  	v3 =	vld [tilespmem:$0x30];
	_ =	sdelay $0x4  }
0x60: {  	v59 =	vshll.u32 v3, $0x3  }
0x61: {  	v3 =	vand.u32 $0x7, v3;
	v4 =	vand.u32 $0xFFFFFFC0, v59  }
0x62: {  	v3 =	vor.u32 v3, v4  }
0x63: {  	v4 =	vperm.xlane v3, v0;
	_ =	sdelay $0x1  }
0x64: {  	v4 =	vadd.s32 v1, v4;
	_ =	sdelay $0x3  }
0x65: {  	s0 =	simm.s32 $0xC100  }
0x66: {  	[hbm4b:s3+s2] =	stream.indirect_vreg.scatter [tilespmem:s0], [sflag:$0x1], $0x80, v4, vm0, $0xb8;
	[tilespmem:$0x10100] =	vst v63  }
0x67: {  	v3 =	vperm.xlane v3, v2;
	s0 =	simm.s32 $0xC900  }
0x68: {  	[hbm4b:s4+s2] =	stream.indirect_vreg.scatter [tilespmem:s0], [sflag:$0x1], $0x80, v4, vm0, $0xb8;
	[tilespmem:$0x10100] =	vst v63  }
0x69: {  	v3 =	vadd.s32 v1, v3;
	s0 =	simm.s32 $0xD100  }
0x6a: {  	[hbm4b:s5+s2] =	stream.indirect_vreg.scatter [tilespmem:s0], [sflag:$0x1], $0x80, v4, vm0, $0xb8;
	[tilespmem:$0x10100] =	vst v63  }
0x6b: {  	s0 =	simm.s32 $0xD900  }
0x6c: {  	[hbm4b:s6+s2] =	stream.indirect_vreg.scatter [tilespmem:s0], [sflag:$0x1], $0x80, v4, vm0, $0xb8;
	[tilespmem:$0x10100] =	vst v63  }
0x6d: {  	s0 =	simm.s32 $0xE100  }
0x6e: {  	[hbm4b:s3+s2] =	stream.indirect_vreg.scatter [tilespmem:s0], [sflag:$0x1], $0x80, v3, vm0, $0xb8;
	[tilespmem:$0x10100] =	vst v63  }
0x6f: {  	s0 =	simm.s32 $0xE900  }
0x70: {  	[hbm4b:s4+s2] =	stream.indirect_vreg.scatter [tilespmem:s0], [sflag:$0x1], $0x80, v3, vm0, $0xb8;
	[tilespmem:$0x10100] =	vst v63  }
0x71: {  	s0 =	simm.s32 $0xF100  }
0x72: {  	[hbm4b:s5+s2] =	stream.indirect_vreg.scatter [tilespmem:s0], [sflag:$0x1], $0x80, v3, vm0, $0xb8;
	[tilespmem:$0x10100] =	vst v63  }
0x73: {  	s0 =	simm.s32 $0xF900  }
0x74: {  	[hbm4b:s6+s2] =	stream.indirect_vreg.scatter [tilespmem:s0], [sflag:$0x1], $0x80, v3, vm0, $0xb8;
	[tilespmem:$0x10100] =	vst v63  }
0x75: {  	v3 =	vld [tilespmem:$0x80];
	_ =	sdelay $0x4  }
0x76: {  	v60 =	vshll.u32 v3, $0x3  }
0x77: {  	v3 =	vand.u32 $0x7, v3;
	v4 =	vand.u32 $0xFFFFFFC0, v60  }
0x78: {  	v3 =	vor.u32 v3, v4  }
0x79: {  	v4 =	vperm.xlane v3, v0;
	_ =	sdelay $0x1  }
0x7a: {  	v4 =	vadd.s32 v1, v4;
	_ =	sdelay $0x4  }
0x7b: {  	[hbm4b:s3+s2] =	stream.indirect_vreg.scatter [tilespmem:s18], [sflag:$0x2], $0x80, v4, vm0, $0xb8;
	[tilespmem:$0x10100] =	vst v63  }
0x7c: {  	v3 =	vperm.xlane v3, v2  }
0x7d: {  	[hbm4b:s4+s2] =	stream.indirect_vreg.scatter [tilespmem:s20], [sflag:$0x2], $0x80, v4, vm0, $0xb8;
	[tilespmem:$0x10100] =	vst v63  }
0x7e: {  	v3 =	vadd.s32 v1, v3  }
0x7f: {  	[hbm4b:s5+s2] =	stream.indirect_vreg.scatter [tilespmem:s21], [sflag:$0x2], $0x80, v4, vm0, $0xb8;
	[tilespmem:$0x10100] =	vst v63  }
0x80: {  	_ = 	snop  }
0x81: {  	[hbm4b:s6+s2] =	stream.indirect_vreg.scatter [tilespmem:s22], [sflag:$0x2], $0x80, v4, vm0, $0xb8;
	[tilespmem:$0x10100] =	vst v63  }
0x82: {  	_ = 	snop  }
0x83: {  	[hbm4b:s3+s2] =	stream.indirect_vreg.scatter [tilespmem:s23], [sflag:$0x2], $0x80, v3, vm0, $0xb8;
	[tilespmem:$0x10100] =	vst v63  }
0x84: {  	_ = 	snop  }
0x85: {  	[hbm4b:s4+s2] =	stream.indirect_vreg.scatter [tilespmem:s24], [sflag:$0x2], $0x80, v3, vm0, $0xb8;
	[tilespmem:$0x10100] =	vst v63  }
0x86: {  	_ = 	snop  }
0x87: {  	[hbm4b:s5+s2] =	stream.indirect_vreg.scatter [tilespmem:s25], [sflag:$0x2], $0x80, v3, vm0, $0xb8;
	[tilespmem:$0x10100] =	vst v63  }
0x88: {  	_ = 	snop  }
0x89: {  	[hbm4b:s6+s2] =	stream.indirect_vreg.scatter [tilespmem:s26], [sflag:$0x2], $0x80, v3, vm0, $0xb8;
	[tilespmem:$0x10100] =	vst v63  }
0x8a: {  	v3 =	vld [tilespmem:$0x90];
	_ =	sdelay $0x4  }
0x8b: {  	v61 =	vshll.u32 v3, $0x3  }
0x8c: {  	v3 =	vand.u32 $0x7, v3;
	v4 =	vand.u32 $0xFFFFFFC0, v61  }
0x8d: {  	v3 =	vor.u32 v3, v4  }
0x8e: {  	v4 =	vperm.xlane v3, v0;
	_ =	sdelay $0x1  }
0x8f: {  	v4 =	vadd.s32 v1, v4;
	_ =	sdelay $0x4  }
0x90: {  	[hbm4b:s3+s2] =	stream.indirect_vreg.scatter [tilespmem:s28], [sflag:$0x2], $0x80, v4, vm0, $0xb8;
	[tilespmem:$0x10100] =	vst v63  }
0x91: {  	v3 =	vperm.xlane v3, v2  }
0x92: {  	[hbm4b:s4+s2] =	stream.indirect_vreg.scatter [tilespmem:s29], [sflag:$0x2], $0x80, v4, vm0, $0xb8;
	[tilespmem:$0x10100] =	vst v63  }
0x93: {  	v3 =	vadd.s32 v1, v3  }
0x94: {  	[hbm4b:s5+s2] =	stream.indirect_vreg.scatter [tilespmem:s30], [sflag:$0x2], $0x80, v4, vm0, $0xb8;
	[tilespmem:$0x10100] =	vst v63  }
0x95: {  	_ = 	snop  }
0x96: {  	[hbm4b:s6+s2] =	stream.indirect_vreg.scatter [tilespmem:s31], [sflag:$0x2], $0x80, v4, vm0, $0xb8;
	[tilespmem:$0x10100] =	vst v63  }
0x97: {  	_ = 	snop  }
0x98: {  	[hbm4b:s3+s2] =	stream.indirect_vreg.scatter [tilespmem:s1], [sflag:$0x2], $0x80, v3, vm0, $0xb8;
	[tilespmem:$0x10100] =	vst v63  }
0x99: {  	s20 =	simm.s32 $0x6900  }
0x9a: {  	[hbm4b:s4+s2] =	stream.indirect_vreg.scatter [tilespmem:s20], [sflag:$0x2], $0x80, v3, vm0, $0xb8;
	[tilespmem:$0x10100] =	vst v63  }
0x9b: {  	_ = 	snop  }
0x9c: {  	[hbm4b:s5+s2] =	stream.indirect_vreg.scatter [tilespmem:s10], [sflag:$0x2], $0x80, v3, vm0, $0xb8;
	[tilespmem:$0x10100] =	vst v63  }
0x9d: {  	_ = 	snop  }
0x9e: {  	[hbm4b:s6+s2] =	stream.indirect_vreg.scatter [tilespmem:s11], [sflag:$0x2], $0x80, v3, vm0, $0xb8;
	[tilespmem:$0x10100] =	vst v63  }
0x9f: {  	v3 =	vld [tilespmem:$0xA0];
	_ =	sdelay $0x4  }
0xa0: {  	v62 =	vshll.u32 v3, $0x3  }
0xa1: {  	v3 =	vand.u32 $0x7, v3;
	v4 =	vand.u32 $0xFFFFFFC0, v62  }
0xa2: {  	v3 =	vor.u32 v3, v4  }
0xa3: {  	v4 =	vperm.xlane v3, v0;
	_ =	sdelay $0x1  }
0xa4: {  	v4 =	vadd.s32 v1, v4;
	_ =	sdelay $0x4  }
0xa5: {  	[hbm4b:s3+s2] =	stream.indirect_vreg.scatter [tilespmem:s12], [sflag:$0x2], $0x80, v4, vm0, $0xb8;
	[tilespmem:$0x10100] =	vst v63  }
0xa6: {  	v3 =	vperm.xlane v3, v2  }
0xa7: {  	[hbm4b:s4+s2] =	stream.indirect_vreg.scatter [tilespmem:s13], [sflag:$0x2], $0x80, v4, vm0, $0xb8;
	[tilespmem:$0x10100] =	vst v63  }
0xa8: {  	v3 =	vadd.s32 v1, v3  }
0xa9: {  	[hbm4b:s5+s2] =	stream.indirect_vreg.scatter [tilespmem:s14], [sflag:$0x2], $0x80, v4, vm0, $0xb8;
	[tilespmem:$0x10100] =	vst v63  }
0xaa: {  	_ = 	snop  }
0xab: {  	[hbm4b:s6+s2] =	stream.indirect_vreg.scatter [tilespmem:s15], [sflag:$0x2], $0x80, v4, vm0, $0xb8;
	[tilespmem:$0x10100] =	vst v63  }
0xac: {  	_ = 	snop  }
0xad: {  	[hbm4b:s3+s2] =	stream.indirect_vreg.scatter [tilespmem:s16], [sflag:$0x2], $0x80, v3, vm0, $0xb8;
	[tilespmem:$0x10100] =	vst v63  }
0xae: {  	_ = 	snop  }
0xaf: {  	[hbm4b:s4+s2] =	stream.indirect_vreg.scatter [tilespmem:s17], [sflag:$0x2], $0x80, v3, vm0, $0xb8;
	[tilespmem:$0x10100] =	vst v63  }
0xb0: {  	_ = 	snop  }
0xb1: {  	[hbm4b:s5+s2] =	stream.indirect_vreg.scatter [tilespmem:s9], [sflag:$0x2], $0x80, v3, vm0, $0xb8;
	[tilespmem:$0x10100] =	vst v63  }
0xb2: {  	_ = 	snop  }
0xb3: {  	[hbm4b:s6+s2] =	stream.indirect_vreg.scatter [tilespmem:s19], [sflag:$0x2], $0x80, v3, vm0, $0xb8;
	[tilespmem:$0x10100] =	vst v63  }
0xb4: {  	v3 =	vld [tilespmem:$0xB0];
	_ =	sdelay $0x4  }
0xb5: {  	v63 =	vshll.u32 v3, $0x3  }
0xb6: {  	v3 =	vand.u32 $0x7, v3;
	v4 =	vand.u32 $0xFFFFFFC0, v63  }
0xb7: {  	v3 =	vor.u32 v3, v4  }
0xb8: {  	v4 =	vperm.xlane v3, v0;
	_ =	sdelay $0x1  }
0xb9: {  	v4 =	vadd.s32 v1, v4;
	_ =	sdelay $0x3  }
0xba: {  	s21 =	simm.s32 $0xC100  }
0xbb: {  	[hbm4b:s3+s2] =	stream.indirect_vreg.scatter [tilespmem:s21], [sflag:$0x2], $0x80, v4, vm0, $0xb8;
	[tilespmem:$0x10100] =	vst v63  }
0xbc: {  	s20 =	simm.s32 $0xC900;
	v3 =	vperm.xlane v3, v2  }
0xbd: {  	[hbm4b:s4+s2] =	stream.indirect_vreg.scatter [tilespmem:s20], [sflag:$0x2], $0x80, v4, vm0, $0xb8;
	[tilespmem:$0x10100] =	vst v63  }
0xbe: {  	v3 =	vadd.s32 v1, v3;
	s21 =	simm.s32 $0xD100  }
0xbf: {  	[hbm4b:s5+s2] =	stream.indirect_vreg.scatter [tilespmem:s21], [sflag:$0x2], $0x80, v4, vm0, $0xb8;
	[tilespmem:$0x10100] =	vst v63  }
0xc0: {  	s20 =	simm.s32 $0xD900  }
0xc1: {  	[hbm4b:s6+s2] =	stream.indirect_vreg.scatter [tilespmem:s20], [sflag:$0x2], $0x80, v4, vm0, $0xb8;
	[tilespmem:$0x10100] =	vst v63  }
0xc2: {  	s21 =	simm.s32 $0xE100  }
0xc3: {  	[hbm4b:s3+s2] =	stream.indirect_vreg.scatter [tilespmem:s21], [sflag:$0x2], $0x80, v3, vm0, $0xb8;
	[tilespmem:$0x10100] =	vst v63  }
0xc4: {  	s20 =	simm.s32 $0xE900  }
0xc5: {  	[hbm4b:s4+s2] =	stream.indirect_vreg.scatter [tilespmem:s20], [sflag:$0x2], $0x80, v3, vm0, $0xb8;
	[tilespmem:$0x10100] =	vst v63  }
0xc6: {  	s21 =	simm.s32 $0xF100  }
0xc7: {  	[hbm4b:s5+s2] =	stream.indirect_vreg.scatter [tilespmem:s21], [sflag:$0x2], $0x80, v3, vm0, $0xb8;
	[tilespmem:$0x10100] =	vst v63  }
0xc8: {  	s20 =	simm.s32 $0x1  }
0xc9: {  	[hbm4b:s6+s2] =	stream.indirect_vreg.scatter [tilespmem:s0], [sflag:$0x2], $0x80, v3, vm0, $0xb8;
	[tilespmem:$0x10100] =	vst v63  }
0xca: {  	p0 =	sne.s32 s7, $0x1;
	_ =	swait.ge [sflag:s20], $0x10000  }
.Ltmp0:
0xcb: {  	[sflag:s20] =	ssyncset.done $0x0;
	(pc) =	sbr.rel @p0 .LBB2_1-.Ltmp0, $4  }
0xcc: {  	s21 =	simm.s32 $0x2;
	[sflag:s20] =	ssyncadd.s32 $0xFFFF0000  }
0xcd: {  	_ =	swait.ge [sflag:s21], $0x10000  }
0xce: {  	[sflag:s21] =	ssyncset.done $0x0  }
0xcf: {  	s7 =	sadd.s32 $0xFFFFFFFF, s7;
	[sflag:s21] =	ssyncadd.s32 $0xFFFF0000  }
0xd0: {  	_ =	sfence.sel $0x180000  }
0xd1: {  	[bflag:$0x0] =	sbarrier.arrive $0xFFFF  }
0xd2: {  	_ =	strace $0x90000047  }
0xd3: {  	s0 =	stileid.u32;
	[bflag:$0x2] =	sbarrier.arrive $0xFFFF  }
0xd4: {  	p0 =	sne.s32 s0, $0x0;
	s0 =	rddreg [dreg:$0x3]  }
0xd5: {  	s0 =	sadd.s32 @!p0 $0x100000, s0  }
0xd6: {  	[sflag:s0] =	ssyncadd.tile.s32 @!p0 $0x1;
	_ =	shalt  }
.Lfunc_end2:
_tile_overlayer_lowered:
.L_overlay_start_2:
0xd7: {  	(tag) =	ssettag $0x2  }
0xd8: {  	s0 =	rddreg [dreg:$0x0];
	s2 =	stileid.u32  }
0xd9: {  	s1 =	rddreg [dreg:$0x1];
	p0 =	sne.s32 s2, $0x0  }
0xda: {  	s3 =	rddreg [dreg:$0x2];
	[bflag:$0x3] =	sbarrier.arrive $0xFFFF;
	s2 =	simm.s32 @!p0 $0x1C03  }
0xdb: {  	[timem:s3], [sflag:s2] =	dma.local @!p0 [hbm:s0], s1  }
0xdc: {  	s0 =	simm.s32 @!p0 $0x3  }
0xdd: {  	_ =	swait.ge @!p0 [sflag:s0], s1  }
0xde: {  	s1 =	ssub.s32 @!p0 $0x0, s1;
	[sflag:s0] =	ssyncset.done @!p0 $0x0  }
0xdf: {  	[sflag:s0] =	ssyncadd.s32 @!p0 s1  }
0xe0: {  	[bflag:$0x3] =	sbarrier.arrive $0xFFFF  }
0xe1: {  	_ =	shalt  }

</sc_bundles>
